<compile_context>
chip_gen: v7x
topology: tpu7x:2x2x1
jax: 0.10.2.dev20260603
libtpu: 0.0.44.dev20260713+nightly
codegen_flags: <defaults>
</compile_context>

<pallas_src>
import functools

import jax
import jax.numpy as jnp
from jax import lax
from jax.experimental import pallas as pl
from jax.experimental.pallas import tpu as pltpu
from jax.experimental.pallas import tpu_sc as plsc

_N = 10000
_E = 320000
_R = 8
_NB = 8
_HID = 128

_NC = 2
_NS = 16
_NW = _NC * _NS
_CH = 128
_K = -(-_E // (_NW * _CH))
_SPAN = _K * _CH
_EP = _NW * _SPAN
_ROWS_PER_TILE = 632
_NPAD = _NS * _ROWS_PER_TILE

_BLK = 400
_NBLK = _N // _BLK



def _feat_body(poi_ref, time_ref, road_ref, poiW_ref, poib_ref,
               timeW_ref, timeb_ref, roadW_ref, roadb_ref, out_ref):
    a = jnp.dot(poi_ref[...], poiW_ref[...],
                preferred_element_type=jnp.float32) + poib_ref[...]
    b = jnp.dot(time_ref[...], timeW_ref[...],
                preferred_element_type=jnp.float32) + timeb_ref[...]
    c = jnp.dot(road_ref[...], roadW_ref[...],
                preferred_element_type=jnp.float32) + roadb_ref[...]
    out_ref[...] = jnp.concatenate([a, b, c], axis=1)


def _feat_call(poi, time, road, poiW, poib, timeW, timeb, roadW, roadb):
    full = lambda shape: pl.BlockSpec(shape, lambda i: (0, 0))
    return pl.pallas_call(
        _feat_body,
        grid=(_NBLK,),
        in_specs=[
            pl.BlockSpec((_BLK, poi.shape[1]), lambda i: (i, 0)),
            pl.BlockSpec((_BLK, time.shape[1]), lambda i: (i, 0)),
            pl.BlockSpec((_BLK, road.shape[1]), lambda i: (i, 0)),
            full(poiW.shape), full(poib.shape),
            full(timeW.shape), full(timeb.shape),
            full(roadW.shape), full(roadb.shape),
        ],
        out_specs=pl.BlockSpec((_BLK, _HID), lambda i: (i, 0)),
        out_shape=jax.ShapeDtypeStruct((_N, _HID), jnp.float32),
    )(poi, time, road, poiW, poib, timeW, timeb, roadW, roadb)


def _w_body(comb_ref, V_ref, out_ref):
    r = pl.program_id(0)

    def body(b, acc):
        return acc + comb_ref[r, b] * V_ref[b]

    out_ref[0] = lax.fori_loop(0, _NB + 1, body,
                               jnp.zeros((_HID, _HID), jnp.float32))


def _w_call(comb_ext, V_ext):
    return pl.pallas_call(
        _w_body,
        grid=(_R + 1,),
        in_specs=[
            pl.BlockSpec(memory_space=pltpu.SMEM),
            pl.BlockSpec((_R + 1, _HID, _HID), lambda r: (0, 0, 0)),
        ],
        out_specs=pl.BlockSpec((1, _HID, _HID), lambda r: (r, 0, 0)),
        out_shape=jax.ShapeDtypeStruct((_R + 1, _HID, _HID), jnp.float32),
    )(comb_ext, V_ext)


def _h_body(W_ref, feat_ref, out_ref):
    out_ref[0] = jnp.dot(feat_ref[...], W_ref[0],
                         preferred_element_type=jnp.float32)


def _h_call(Wfull, feat):
    return pl.pallas_call(
        _h_body,
        grid=(_R + 1, _NBLK),
        in_specs=[
            pl.BlockSpec((1, _HID, _HID), lambda r, i: (r, 0, 0)),
            pl.BlockSpec((_BLK, _HID), lambda r, i: (i, 0)),
        ],
        out_specs=pl.BlockSpec((1, _BLK, _HID), lambda r, i: (r, i, 0)),
        out_shape=jax.ShapeDtypeStruct((_R + 1, _N, _HID), jnp.float32),
    )(Wfull, feat)


def _combine_body(part_ref, self_ref, bias_ref, out_ref, *, relu):
    h = part_ref[0] + part_ref[1] + self_ref[...] + bias_ref[...]
    out_ref[...] = jnp.maximum(h, 0.0) if relu else h


def _combine_call(part, self_msg, bias, relu):
    return pl.pallas_call(
        functools.partial(_combine_body, relu=relu),
        grid=(_NBLK,),
        in_specs=[
            pl.BlockSpec((_NC, _BLK, _HID), lambda i: (0, i, 0)),
            pl.BlockSpec((_BLK, _HID), lambda i: (i, 0)),
            pl.BlockSpec((1, _HID), lambda i: (0, 0)),
        ],
        out_specs=pl.BlockSpec((_BLK, _HID), lambda i: (i, 0)),
        out_shape=jax.ShapeDtypeStruct((_N, _HID), jnp.float32),
    )(part, self_msg, bias)



@functools.partial(
    pl.kernel,
    out_type=jax.ShapeDtypeStruct((_NC, _NPAD, _HID), jnp.float32),
    mesh=plsc.VectorSubcoreMesh(core_axis_name="c", subcore_axis_name="s"),
    scratch_types=[
        pltpu.VMEM((_CH,), jnp.int32),
        pltpu.VMEM((_CH,), jnp.int32),
        pltpu.VMEM((_CH, _HID), jnp.float32),
        pltpu.VMEM_SHARED((_NPAD, _HID), jnp.float32),
        pltpu.SemaphoreType.DMA,
    ],
)
def _sc_agg(h_hbm, gidx_hbm, dst_hbm, zeros_hbm, out_hbm,
            idx_v, dst_v, rows_v, agg_s, sem):
    c = lax.axis_index("c")
    s = lax.axis_index("s")
    wid = s * _NC + c
    row0 = s * _ROWS_PER_TILE
    pltpu.sync_copy(zeros_hbm.at[pl.ds(row0, _ROWS_PER_TILE)],
                    agg_s.at[pl.ds(row0, _ROWS_PER_TILE)])
    plsc.subcore_barrier()
    base = wid * _SPAN

    def body(i, carry):
        off = base + i * _CH
        pltpu.sync_copy(gidx_hbm.at[pl.ds(off, _CH)], idx_v)
        pltpu.sync_copy(dst_hbm.at[pl.ds(off, _CH)], dst_v)
        pltpu.async_copy(h_hbm.at[idx_v], rows_v, sem).wait()
        pltpu.sync_copy(rows_v, agg_s.at[dst_v], add=True)
        return carry

    lax.fori_loop(0, _K, body, 0)
    plsc.subcore_barrier()
    pltpu.sync_copy(agg_s.at[pl.ds(row0, _ROWS_PER_TILE)],
                    out_hbm.at[c, pl.ds(row0, _ROWS_PER_TILE)])



def kernel(g, g_base, x, road_ID, etype_base, road_embed, poi_distribution,
           time_distribution, road_feature, poi_W, poi_b, time_W, time_b,
           road_W, road_b, comb1, V1, loop1, b1, comb2, V2, loop2, b2):
    src = g_base[0].astype(jnp.int32)
    dst = g_base[1].astype(jnp.int32)
    et = etype_base.astype(jnp.int32)
    gidx = et * _N + src
    pad = _EP - _E
    gidx_p = jnp.concatenate([gidx, jnp.zeros((pad,), jnp.int32)])
    dst_p = jnp.concatenate([dst, jnp.full((pad,), _N, jnp.int32)])
    zeros = jnp.zeros((_NPAD, _HID), jnp.float32)

    feat = _feat_call(poi_distribution, time_distribution, road_feature,
                      poi_W, poi_b.reshape(1, -1), time_W,
                      time_b.reshape(1, -1), road_W, road_b.reshape(1, -1))

    def layer(f, comb, V, loop_w, bias, relu):
        comb_ext = (jnp.zeros((_R + 1, _NB + 1), jnp.float32)
                    .at[:_R, :_NB].set(comb).at[_R, _NB].set(1.0))
        V_ext = jnp.concatenate([V, loop_w[None]], axis=0)
        Wfull = _w_call(comb_ext, V_ext)
        Hfull = _h_call(Wfull, f)
        table = Hfull.reshape((_R + 1) * _N, _HID)
        part = _sc_agg(table, gidx_p, dst_p, zeros)
        return _combine_call(part, Hfull[_R], bias.reshape(1, -1), relu)

    h = layer(feat, comb1, V1, loop1, b1, True)
    return layer(h, comb2, V2, loop2, b2, False)

# --- scband reference (transcript-rebuilt; emitter-appended) ---
"""Pipeline reference for scband-r-gcn-87720412054011 (READ-ONLY COPY).

The authoritative reference and input builder live on the scoring server;
editing this copy changes nothing except your own understanding.
"""

import jax, jax.numpy as jnp
import numpy as np

N = 10000
E = 320000
R = 8
NB = 8
HID = 128
FEA = 32
TIME = 2880
POI = 12
IN = 128


def setup_inputs(seed: int = 0) -> dict:
    key = jax.random.key(seed)
    ks = jax.random.split(key, 26)
    inp = {}
    inp["g"] = jax.random.randint(ks[0], (2, E), 0, N, dtype=jnp.int64)
    inp["g_base"] = jax.random.randint(ks[1], (2, E), 0, N, dtype=jnp.int64)
    inp["x"] = jax.random.normal(ks[2], (N, IN), dtype=jnp.float32)
    inp["road_ID"] = jax.random.randint(ks[3], (N,), 0, N, dtype=jnp.int64)
    inp["etype_base"] = jax.random.randint(ks[4], (E,), 0, R, dtype=jnp.int64)
    inp["road_embed"] = jax.random.normal(ks[5], (N, FEA), dtype=jnp.float32)
    inp["poi_distribution"] = jax.random.uniform(ks[6], (N, POI), dtype=jnp.float32)
    inp["time_distribution"] = jax.random.uniform(ks[7], (N, TIME), dtype=jnp.float32)
    inp["road_feature"] = jax.random.normal(ks[8], (N, IN), dtype=jnp.float32)
    # learned parameters
    inp["poi_W"] = jax.random.normal(ks[9], (POI, FEA), dtype=jnp.float32) * 0.05
    inp["poi_b"] = jnp.zeros((FEA,), dtype=jnp.float32)
    inp["time_W"] = jax.random.normal(ks[10], (TIME, 2 * FEA), dtype=jnp.float32) * 0.02
    inp["time_b"] = jnp.zeros((2 * FEA,), dtype=jnp.float32)
    inp["road_W"] = jax.random.normal(ks[11], (IN, FEA), dtype=jnp.float32) * 0.05
    inp["road_b"] = jnp.zeros((FEA,), dtype=jnp.float32)
    # RelGraphConv layer 1 (basis regularizer)
    inp["comb1"] = jax.random.normal(ks[12], (R, NB), dtype=jnp.float32) * 0.3
    inp["V1"] = jax.random.normal(ks[13], (NB, HID, HID), dtype=jnp.float32) * 0.05
    inp["loop1"] = jax.random.normal(ks[14], (HID, HID), dtype=jnp.float32) * 0.05
    inp["b1"] = jnp.zeros((HID,), dtype=jnp.float32)
    # RelGraphConv layer 2
    inp["comb2"] = jax.random.normal(ks[15], (R, NB), dtype=jnp.float32) * 0.3
    inp["V2"] = jax.random.normal(ks[16], (NB, HID, HID), dtype=jnp.float32) * 0.05
    inp["loop2"] = jax.random.normal(ks[17], (HID, HID), dtype=jnp.float32) * 0.05
    inp["b2"] = jnp.zeros((HID,), dtype=jnp.float32)
    return inp


def _rel_graph_conv(src, dst, etypes, feat, comb, V, loop_w, bias):
    # basis decomposition: W_r = sum_b comb[r, b] * V[b]
    W = jnp.einsum("rb,bio->rio", comb, V)  # [R, in, out]
    # transform node features under every relation
    H = jnp.einsum("ni,rio->rno", feat, W)  # [R, N, out]
    # per-edge message = W_{etype} h_src, gathered
    msg = H[etypes, src]  # [E, out]
    agg = jax.ops.segment_sum(msg, dst, num_segments=feat.shape[0])
    h = agg + feat @ loop_w  # self-loop
    h = h + bias
    return h


def reference(g, g_base, x, road_ID, etype_base, road_embed,
              poi_distribution, time_distribution, road_feature,
              poi_W, poi_b, time_W, time_b, road_W, road_b,
              comb1, V1, loop1, b1, comb2, V2, loop2, b2):
    poi_feat = poi_distribution @ poi_W + poi_b
    time_feat = time_distribution @ time_W + time_b
    road_feat = road_feature @ road_W + road_b
    feat = jnp.concatenate([poi_feat, time_feat, road_feat], axis=1)  # [N, 128]
    src = g_base[0]
    dst = g_base[1]
    h = _rel_graph_conv(src, dst, etype_base, feat, comb1, V1, loop1, b1)
    h = jax.nn.relu(h)  # dropout p=0.0 -> identity
    h = _rel_graph_conv(src, dst, etype_base, h, comb2, V2, loop2, b2)
    return h

if __name__ == "__main__":
    import jax
    _d = setup_inputs()
    print(jax.jit(kernel)(*tuple(_d.values())))

</pallas_src>

<mosaic_0001>
#map = affine_map<(d0, d1) -> (0, 0)>
#map1 = affine_map<(d0, d1) -> (0)>
#map2 = affine_map<(d0, d1) -> (0, 0, 0)>
module attributes {stable_mosaic.version = 14 : i64} {
  func.func @_sc_agg(%arg0: i32, %arg1: i32, %arg2: memref<90000x128xf32, #tpu.memory_space<hbm>>, %arg3: memref<323584xi32, #tpu.memory_space<hbm>>, %arg4: memref<323584xi32, #tpu.memory_space<hbm>>, %arg5: memref<10112x128xf32, #tpu.memory_space<hbm>>, %arg6: memref<2x10112x128xf32, #tpu.memory_space<hbm>>, %arg7: memref<128xi32, #tpu.memory_space<vmem>>, %arg8: memref<128xi32, #tpu.memory_space<vmem>>, %arg9: memref<128x128xf32, #tpu.memory_space<vmem>>, %arg10: memref<10112x128xf32, #tpu.memory_space<vmem_shared>>, %arg11: memref<!tpu.dma_semaphore, #tpu.memory_space<semaphore_mem>>) attributes {dimension_semantics = [#tpu.dimension_semantics<core_parallel>, #tpu.dimension_semantics<subcore_parallel>], iteration_bounds = array<i64: 2, 16>, scalar_prefetch = 0 : i64, scratch_operands = 5 : i64, tpu.core_type = #tpu.core_type<sc_vector_subcore>, window_params = [{transform_indices = #map}, {transform_indices = #map1}, {transform_indices = #map1}, {transform_indices = #map}, {transform_indices = #map2}]} {
    %mul3A = arith.constant 2 : i32
    %mul3A_0 = arith.muli %arg1, %mul3A : i32
    %add3A = arith.addi %mul3A_0, %arg0 : i32
    %mul3A_1 = arith.constant 632 : i32
    %mul3A_2 = arith.muli %arg1, %mul3A_1 : i32
    "tpu.region"() ({
      %run_scoped3A = tpu.sem_alloc : memref<!tpu.dma_semaphore, #tpu.memory_space<semaphore_mem>>
      %dma_start3A = arith.constant 0 : i32
      %dma_start3A_11 = tpu.memref_slice %arg10[%mul3A_2, %dma_start3A] : memref<10112x128xf32, #tpu.memory_space<vmem_shared>> -> memref<632x128xf32, #tpu.memory_space<vmem_shared>>
      %dma_start3A_12 = arith.constant 0 : i32
      %dma_start3A_13 = tpu.memref_slice %arg5[%mul3A_2, %dma_start3A_12] : memref<10112x128xf32, #tpu.memory_space<hbm>> -> memref<632x128xf32, #tpu.memory_space<hbm>>
      tpu.enqueue_dma source(%dma_start3A_13 : memref<632x128xf32, #tpu.memory_space<hbm>>) target(%dma_start3A_11 : memref<632x128xf32, #tpu.memory_space<vmem_shared>>) target_semaphore(%run_scoped3A : memref<!tpu.dma_semaphore, #tpu.memory_space<semaphore_mem>>)
      %dma_wait3A = arith.constant 0 : i32
      %dma_wait3A_14 = tpu.memref_slice %arg10[%mul3A_2, %dma_wait3A] : memref<10112x128xf32, #tpu.memory_space<vmem_shared>> -> memref<632x128xf32, #tpu.memory_space<vmem_shared>>
      %dma_wait3A_15 = arith.constant 0 : i32
      %dma_wait3A_16 = tpu.memref_slice %arg5[%mul3A_2, %dma_wait3A_15] : memref<10112x128xf32, #tpu.memory_space<hbm>> -> memref<632x128xf32, #tpu.memory_space<hbm>>
      tpu.wait_dma2 semaphore(%run_scoped3A : memref<!tpu.dma_semaphore, #tpu.memory_space<semaphore_mem>>) src(%dma_wait3A_16 : memref<632x128xf32, #tpu.memory_space<hbm>>) dst(%dma_wait3A_14 : memref<632x128xf32, #tpu.memory_space<vmem_shared>>)
      tpu.yield
    }) : () -> ()
    %barrier3A = arith.constant 0 : index
    tpu.barrier barrier_id(%barrier3A)
    %mul3A_3 = arith.constant 10112 : i32
    %mul3A_4 = arith.muli %add3A, %mul3A_3 : i32
    %scan3A = arith.constant 0 : i32
    %scan3A_5 = arith.constant 0 : i32
    %scan3A_6 = arith.constant 79 : i32
    %scan3A_7 = arith.addi %scan3A_5, %scan3A_6 : i32
    %scan3A_8 = arith.constant 1 : i32
    scf.for %scan3A_11 = %scan3A_5 to %scan3A_7 step %scan3A_8  : i32 {
      %mul3A_12 = arith.constant 128 : i32
      %mul3A_13 = arith.muli %scan3A_11, %mul3A_12 : i32
      %add3A_14 = arith.addi %mul3A_4, %mul3A_13 : i32
      "tpu.region"() ({
        %run_scoped3A = tpu.sem_alloc : memref<!tpu.dma_semaphore, #tpu.memory_space<semaphore_mem>>
        %dma_start3A_19 = tpu.memref_slice %arg3[%add3A_14] : memref<323584xi32, #tpu.memory_space<hbm>> -> memref<128xi32, #tpu.memory_space<hbm>>
        %dma_start3A_20 = tpu.memref_slice %arg3[%add3A_14] : memref<323584xi32, #tpu.memory_space<hbm>> -> memref<128xi32, #tpu.memory_space<hbm>>
        tpu.enqueue_dma source(%dma_start3A_20 : memref<128xi32, #tpu.memory_space<hbm>>) target(%arg7 : memref<128xi32, #tpu.memory_space<vmem>>) target_semaphore(%run_scoped3A : memref<!tpu.dma_semaphore, #tpu.memory_space<semaphore_mem>>)
        %dma_wait3A_21 = tpu.memref_slice %arg3[%add3A_14] : memref<323584xi32, #tpu.memory_space<hbm>> -> memref<128xi32, #tpu.memory_space<hbm>>
        %dma_wait3A_22 = tpu.memref_slice %arg3[%add3A_14] : memref<323584xi32, #tpu.memory_space<hbm>> -> memref<128xi32, #tpu.memory_space<hbm>>
        tpu.wait_dma2 semaphore(%run_scoped3A : memref<!tpu.dma_semaphore, #tpu.memory_space<semaphore_mem>>) src(%dma_wait3A_22 : memref<128xi32, #tpu.memory_space<hbm>>) dst(%arg7 : memref<128xi32, #tpu.memory_space<vmem>>)
        tpu.yield
      }) : () -> ()
      "tpu.region"() ({
        %run_scoped3A = tpu.sem_alloc : memref<!tpu.dma_semaphore, #tpu.memory_space<semaphore_mem>>
        %dma_start3A_19 = tpu.memref_slice %arg4[%add3A_14] : memref<323584xi32, #tpu.memory_space<hbm>> -> memref<128xi32, #tpu.memory_space<hbm>>
        %dma_start3A_20 = tpu.memref_slice %arg4[%add3A_14] : memref<323584xi32, #tpu.memory_space<hbm>> -> memref<128xi32, #tpu.memory_space<hbm>>
        tpu.enqueue_dma source(%dma_start3A_20 : memref<128xi32, #tpu.memory_space<hbm>>) target(%arg8 : memref<128xi32, #tpu.memory_space<vmem>>) target_semaphore(%run_scoped3A : memref<!tpu.dma_semaphore, #tpu.memory_space<semaphore_mem>>)
        %dma_wait3A_21 = tpu.memref_slice %arg4[%add3A_14] : memref<323584xi32, #tpu.memory_space<hbm>> -> memref<128xi32, #tpu.memory_space<hbm>>
        %dma_wait3A_22 = tpu.memref_slice %arg4[%add3A_14] : memref<323584xi32, #tpu.memory_space<hbm>> -> memref<128xi32, #tpu.memory_space<hbm>>
        tpu.wait_dma2 semaphore(%run_scoped3A : memref<!tpu.dma_semaphore, #tpu.memory_space<semaphore_mem>>) src(%dma_wait3A_22 : memref<128xi32, #tpu.memory_space<hbm>>) dst(%arg8 : memref<128xi32, #tpu.memory_space<vmem>>)
        tpu.yield
      }) : () -> ()
      %dma_start3A = arith.constant 0 : i32
      %dma_start3A_15 = arith.constant 0 : i32
      %dma_start3A_16 = tpu.memref_slice %arg2[%dma_start3A, %dma_start3A_15] : memref<90000x128xf32, #tpu.memory_space<hbm>> -> memref<90000x128xf32, #tpu.memory_space<hbm>>
      tpu.enqueue_indirect_dma source(%dma_start3A_16 : memref<90000x128xf32, #tpu.memory_space<hbm>>) target(%arg9 : memref<128x128xf32, #tpu.memory_space<vmem>>) offsets(%arg7 : memref<128xi32, #tpu.memory_space<vmem>>) semaphore(%arg11 : memref<!tpu.dma_semaphore, #tpu.memory_space<semaphore_mem>>)
      %dma_wait3A = arith.constant 0 : i32
      %dma_wait3A_17 = arith.constant 0 : i32
      %dma_wait3A_18 = tpu.memref_slice %arg2[%dma_wait3A, %dma_wait3A_17] : memref<90000x128xf32, #tpu.memory_space<hbm>> -> memref<90000x128xf32, #tpu.memory_space<hbm>>
      tpu.wait_indirect_dma semaphore(%arg11 : memref<!tpu.dma_semaphore, #tpu.memory_space<semaphore_mem>>) src(%dma_wait3A_18 : memref<90000x128xf32, #tpu.memory_space<hbm>>) dst(%arg9 : memref<128x128xf32, #tpu.memory_space<vmem>>)
      "tpu.region"() ({
        %run_scoped3A = tpu.sem_alloc : memref<!tpu.dma_semaphore, #tpu.memory_space<semaphore_mem>>
        %dma_start3A_19 = arith.constant 0 : i32
        %dma_start3A_20 = arith.constant 0 : i32
        %dma_start3A_21 = tpu.memref_slice %arg10[%dma_start3A_19, %dma_start3A_20] : memref<10112x128xf32, #tpu.memory_space<vmem_shared>> -> memref<10112x128xf32, #tpu.memory_space<vmem_shared>>
        tpu.enqueue_indirect_dma source(%arg9 : memref<128x128xf32, #tpu.memory_space<vmem>>) target(%dma_start3A_21 : memref<10112x128xf32, #tpu.memory_space<vmem_shared>>) offsets(%arg8 : memref<128xi32, #tpu.memory_space<vmem>>) semaphore(%run_scoped3A : memref<!tpu.dma_semaphore, #tpu.memory_space<semaphore_mem>>) {add = true}
        %dma_wait3A_22 = arith.constant 0 : i32
        %dma_wait3A_23 = arith.constant 0 : i32
        %dma_wait3A_24 = tpu.memref_slice %arg10[%dma_wait3A_22, %dma_wait3A_23] : memref<10112x128xf32, #tpu.memory_space<vmem_shared>> -> memref<10112x128xf32, #tpu.memory_space<vmem_shared>>
        tpu.wait_indirect_dma semaphore(%run_scoped3A : memref<!tpu.dma_semaphore, #tpu.memory_space<semaphore_mem>>) src(%arg9 : memref<128x128xf32, #tpu.memory_space<vmem>>) dst(%dma_wait3A_24 : memref<10112x128xf32, #tpu.memory_space<vmem_shared>>)
        tpu.yield
      }) : () -> ()
    }
    %scan3A_9 = arith.constant 79 : i32
    %barrier3A_10 = arith.constant 0 : index
    tpu.barrier barrier_id(%barrier3A_10)
    "tpu.region"() ({
      %run_scoped3A = tpu.sem_alloc : memref<!tpu.dma_semaphore, #tpu.memory_space<semaphore_mem>>
      %dma_start3A = arith.constant 0 : i32
      %dma_start3A_11 = tpu.memref_slice %arg6[%arg0, %mul3A_2, %dma_start3A] : memref<2x10112x128xf32, #tpu.memory_space<hbm>> -> memref<1x632x128xf32, #tpu.memory_space<hbm>>
      %dma_start3A_12 = tpu.memref_squeeze %dma_start3A_11 : memref<1x632x128xf32, #tpu.memory_space<hbm>> -> memref<632x128xf32, #tpu.memory_space<hbm>>
      %dma_start3A_13 = arith.constant 0 : i32
      %dma_start3A_14 = tpu.memref_slice %arg10[%mul3A_2, %dma_start3A_13] : memref<10112x128xf32, #tpu.memory_space<vmem_shared>> -> memref<632x128xf32, #tpu.memory_space<vmem_shared>>
      tpu.enqueue_dma source(%dma_start3A_14 : memref<632x128xf32, #tpu.memory_space<vmem_shared>>) target(%dma_start3A_12 : memref<632x128xf32, #tpu.memory_space<hbm>>) target_semaphore(%run_scoped3A : memref<!tpu.dma_semaphore, #tpu.memory_space<semaphore_mem>>)
      %dma_wait3A = arith.constant 0 : i32
      %dma_wait3A_15 = tpu.memref_slice %arg6[%arg0, %mul3A_2, %dma_wait3A] : memref<2x10112x128xf32, #tpu.memory_space<hbm>> -> memref<1x632x128xf32, #tpu.memory_space<hbm>>
      %dma_wait3A_16 = tpu.memref_squeeze %dma_wait3A_15 : memref<1x632x128xf32, #tpu.memory_space<hbm>> -> memref<632x128xf32, #tpu.memory_space<hbm>>
      %dma_wait3A_17 = arith.constant 0 : i32
      %dma_wait3A_18 = tpu.memref_slice %arg10[%mul3A_2, %dma_wait3A_17] : memref<10112x128xf32, #tpu.memory_space<vmem_shared>> -> memref<632x128xf32, #tpu.memory_space<vmem_shared>>
      tpu.wait_dma2 semaphore(%run_scoped3A : memref<!tpu.dma_semaphore, #tpu.memory_space<semaphore_mem>>) src(%dma_wait3A_18 : memref<632x128xf32, #tpu.memory_space<vmem_shared>>) dst(%dma_wait3A_16 : memref<632x128xf32, #tpu.memory_space<hbm>>)
      tpu.yield
    }) : () -> ()
    return
  }
}

#map = affine_map<(d0, d1) -> (0, 0)>
#map1 = affine_map<(d0, d1) -> (0)>
#map2 = affine_map<(d0, d1) -> (0, 0, 0)>
module attributes {stable_mosaic.version = 14 : i64} {
  func.func @_sc_agg(%arg0: i32, %arg1: i32, %arg2: memref<90000x128xf32, #tpu.memory_space<hbm>>, %arg3: memref<323584xi32, #tpu.memory_space<hbm>>, %arg4: memref<323584xi32, #tpu.memory_space<hbm>>, %arg5: memref<10112x128xf32, #tpu.memory_space<hbm>>, %arg6: memref<2x10112x128xf32, #tpu.memory_space<hbm>>, %arg7: memref<128xi32, #tpu.memory_space<vmem>>, %arg8: memref<128xi32, #tpu.memory_space<vmem>>, %arg9: memref<128x128xf32, #tpu.memory_space<vmem>>, %arg10: memref<10112x128xf32, #tpu.memory_space<vmem_shared>>, %arg11: memref<!tpu.dma_semaphore, #tpu.memory_space<semaphore_mem>>) attributes {dimension_semantics = [#tpu.dimension_semantics<core_parallel>, #tpu.dimension_semantics<subcore_parallel>], iteration_bounds = array<i64: 2, 16>, scalar_prefetch = 0 : i64, scratch_operands = 5 : i64, tpu.core_type = #tpu.core_type<sc_vector_subcore>, window_params = [{transform_indices = #map}, {transform_indices = #map1}, {transform_indices = #map1}, {transform_indices = #map}, {transform_indices = #map2}]} {
    %mul3A = arith.constant 2 : i32
    %mul3A_0 = arith.muli %arg1, %mul3A : i32
    %add3A = arith.addi %mul3A_0, %arg0 : i32
    %mul3A_1 = arith.constant 632 : i32
    %mul3A_2 = arith.muli %arg1, %mul3A_1 : i32
    "tpu.region"() ({
      %run_scoped3A = tpu.sem_alloc : memref<!tpu.dma_semaphore, #tpu.memory_space<semaphore_mem>>
      %dma_start3A = arith.constant 0 : i32
      %dma_start3A_11 = tpu.memref_slice %arg10[%mul3A_2, %dma_start3A] : memref<10112x128xf32, #tpu.memory_space<vmem_shared>> -> memref<632x128xf32, #tpu.memory_space<vmem_shared>>
      %dma_start3A_12 = arith.constant 0 : i32
      %dma_start3A_13 = tpu.memref_slice %arg5[%mul3A_2, %dma_start3A_12] : memref<10112x128xf32, #tpu.memory_space<hbm>> -> memref<632x128xf32, #tpu.memory_space<hbm>>
      tpu.enqueue_dma source(%dma_start3A_13 : memref<632x128xf32, #tpu.memory_space<hbm>>) target(%dma_start3A_11 : memref<632x128xf32, #tpu.memory_space<vmem_shared>>) target_semaphore(%run_scoped3A : memref<!tpu.dma_semaphore, #tpu.memory_space<semaphore_mem>>)
      %dma_wait3A = arith.constant 0 : i32
      %dma_wait3A_14 = tpu.memref_slice %arg10[%mul3A_2, %dma_wait3A] : memref<10112x128xf32, #tpu.memory_space<vmem_shared>> -> memref<632x128xf32, #tpu.memory_space<vmem_shared>>
      %dma_wait3A_15 = arith.constant 0 : i32
      %dma_wait3A_16 = tpu.memref_slice %arg5[%mul3A_2, %dma_wait3A_15] : memref<10112x128xf32, #tpu.memory_space<hbm>> -> memref<632x128xf32, #tpu.memory_space<hbm>>
      tpu.wait_dma2 semaphore(%run_scoped3A : memref<!tpu.dma_semaphore, #tpu.memory_space<semaphore_mem>>) src(%dma_wait3A_16 : memref<632x128xf32, #tpu.memory_space<hbm>>) dst(%dma_wait3A_14 : memref<632x128xf32, #tpu.memory_space<vmem_shared>>)
      tpu.yield
    }) : () -> ()
    %barrier3A = arith.constant 0 : index
    tpu.barrier barrier_id(%barrier3A)
    %mul3A_3 = arith.constant 10112 : i32
    %mul3A_4 = arith.muli %add3A, %mul3A_3 : i32
    %scan3A = arith.constant 0 : i32
    %scan3A_5 = arith.constant 0 : i32
    %scan3A_6 = arith.constant 79 : i32
    %scan3A_7 = arith.addi %scan3A_5, %scan3A_6 : i32
    %scan3A_8 = arith.constant 1 : i32
    scf.for %scan3A_11 = %scan3A_5 to %scan3A_7 step %scan3A_8  : i32 {
      %mul3A_12 = arith.constant 128 : i32
      %mul3A_13 = arith.muli %scan3A_11, %mul3A_12 : i32
      %add3A_14 = arith.addi %mul3A_4, %mul3A_13 : i32
      "tpu.region"() ({
        %run_scoped3A = tpu.sem_alloc : memref<!tpu.dma_semaphore, #tpu.memory_space<semaphore_mem>>
        %dma_start3A_19 = tpu.memref_slice %arg3[%add3A_14] : memref<323584xi32, #tpu.memory_space<hbm>> -> memref<128xi32, #tpu.memory_space<hbm>>
        %dma_start3A_20 = tpu.memref_slice %arg3[%add3A_14] : memref<323584xi32, #tpu.memory_space<hbm>> -> memref<128xi32, #tpu.memory_space<hbm>>
        tpu.enqueue_dma source(%dma_start3A_20 : memref<128xi32, #tpu.memory_space<hbm>>) target(%arg7 : memref<128xi32, #tpu.memory_space<vmem>>) target_semaphore(%run_scoped3A : memref<!tpu.dma_semaphore, #tpu.memory_space<semaphore_mem>>)
        %dma_wait3A_21 = tpu.memref_slice %arg3[%add3A_14] : memref<323584xi32, #tpu.memory_space<hbm>> -> memref<128xi32, #tpu.memory_space<hbm>>
        %dma_wait3A_22 = tpu.memref_slice %arg3[%add3A_14] : memref<323584xi32, #tpu.memory_space<hbm>> -> memref<128xi32, #tpu.memory_space<hbm>>
        tpu.wait_dma2 semaphore(%run_scoped3A : memref<!tpu.dma_semaphore, #tpu.memory_space<semaphore_mem>>) src(%dma_wait3A_22 : memref<128xi32, #tpu.memory_space<hbm>>) dst(%arg7 : memref<128xi32, #tpu.memory_space<vmem>>)
        tpu.yield
      }) : () -> ()
      "tpu.region"() ({
        %run_scoped3A = tpu.sem_alloc : memref<!tpu.dma_semaphore, #tpu.memory_space<semaphore_mem>>
        %dma_start3A_19 = tpu.memref_slice %arg4[%add3A_14] : memref<323584xi32, #tpu.memory_space<hbm>> -> memref<128xi32, #tpu.memory_space<hbm>>
        %dma_start3A_20 = tpu.memref_slice %arg4[%add3A_14] : memref<323584xi32, #tpu.memory_space<hbm>> -> memref<128xi32, #tpu.memory_space<hbm>>
        tpu.enqueue_dma source(%dma_start3A_20 : memref<128xi32, #tpu.memory_space<hbm>>) target(%arg8 : memref<128xi32, #tpu.memory_space<vmem>>) target_semaphore(%run_scoped3A : memref<!tpu.dma_semaphore, #tpu.memory_space<semaphore_mem>>)
        %dma_wait3A_21 = tpu.memref_slice %arg4[%add3A_14] : memref<323584xi32, #tpu.memory_space<hbm>> -> memref<128xi32, #tpu.memory_space<hbm>>
        %dma_wait3A_22 = tpu.memref_slice %arg4[%add3A_14] : memref<323584xi32, #tpu.memory_space<hbm>> -> memref<128xi32, #tpu.memory_space<hbm>>
        tpu.wait_dma2 semaphore(%run_scoped3A : memref<!tpu.dma_semaphore, #tpu.memory_space<semaphore_mem>>) src(%dma_wait3A_22 : memref<128xi32, #tpu.memory_space<hbm>>) dst(%arg8 : memref<128xi32, #tpu.memory_space<vmem>>)
        tpu.yield
      }) : () -> ()
      %dma_start3A = arith.constant 0 : i32
      %dma_start3A_15 = arith.constant 0 : i32
      %dma_start3A_16 = tpu.memref_slice %arg2[%dma_start3A, %dma_start3A_15] : memref<90000x128xf32, #tpu.memory_space<hbm>> -> memref<90000x128xf32, #tpu.memory_space<hbm>>
      tpu.enqueue_indirect_dma source(%dma_start3A_16 : memref<90000x128xf32, #tpu.memory_space<hbm>>) target(%arg9 : memref<128x128xf32, #tpu.memory_space<vmem>>) offsets(%arg7 : memref<128xi32, #tpu.memory_space<vmem>>) semaphore(%arg11 : memref<!tpu.dma_semaphore, #tpu.memory_space<semaphore_mem>>)
      %dma_wait3A = arith.constant 0 : i32
      %dma_wait3A_17 = arith.constant 0 : i32
      %dma_wait3A_18 = tpu.memref_slice %arg2[%dma_wait3A, %dma_wait3A_17] : memref<90000x128xf32, #tpu.memory_space<hbm>> -> memref<90000x128xf32, #tpu.memory_space<hbm>>
      tpu.wait_indirect_dma semaphore(%arg11 : memref<!tpu.dma_semaphore, #tpu.memory_space<semaphore_mem>>) src(%dma_wait3A_18 : memref<90000x128xf32, #tpu.memory_space<hbm>>) dst(%arg9 : memref<128x128xf32, #tpu.memory_space<vmem>>)
      "tpu.region"() ({
        %run_scoped3A = tpu.sem_alloc : memref<!tpu.dma_semaphore, #tpu.memory_space<semaphore_mem>>
        %dma_start3A_19 = arith.constant 0 : i32
        %dma_start3A_20 = arith.constant 0 : i32
        %dma_start3A_21 = tpu.memref_slice %arg10[%dma_start3A_19, %dma_start3A_20] : memref<10112x128xf32, #tpu.memory_space<vmem_shared>> -> memref<10112x128xf32, #tpu.memory_space<vmem_shared>>
        tpu.enqueue_indirect_dma source(%arg9 : memref<128x128xf32, #tpu.memory_space<vmem>>) target(%dma_start3A_21 : memref<10112x128xf32, #tpu.memory_space<vmem_shared>>) offsets(%arg8 : memref<128xi32, #tpu.memory_space<vmem>>) semaphore(%run_scoped3A : memref<!tpu.dma_semaphore, #tpu.memory_space<semaphore_mem>>) {add = true}
        %dma_wait3A_22 = arith.constant 0 : i32
        %dma_wait3A_23 = arith.constant 0 : i32
        %dma_wait3A_24 = tpu.memref_slice %arg10[%dma_wait3A_22, %dma_wait3A_23] : memref<10112x128xf32, #tpu.memory_space<vmem_shared>> -> memref<10112x128xf32, #tpu.memory_space<vmem_shared>>
        tpu.wait_indirect_dma semaphore(%run_scoped3A : memref<!tpu.dma_semaphore, #tpu.memory_space<semaphore_mem>>) src(%arg9 : memref<128x128xf32, #tpu.memory_space<vmem>>) dst(%dma_wait3A_24 : memref<10112x128xf32, #tpu.memory_space<vmem_shared>>)
        tpu.yield
      }) : () -> ()
    }
    %scan3A_9 = arith.constant 79 : i32
    %barrier3A_10 = arith.constant 0 : index
    tpu.barrier barrier_id(%barrier3A_10)
    "tpu.region"() ({
      %run_scoped3A = tpu.sem_alloc : memref<!tpu.dma_semaphore, #tpu.memory_space<semaphore_mem>>
      %dma_start3A = arith.constant 0 : i32
      %dma_start3A_11 = tpu.memref_slice %arg6[%arg0, %mul3A_2, %dma_start3A] : memref<2x10112x128xf32, #tpu.memory_space<hbm>> -> memref<1x632x128xf32, #tpu.memory_space<hbm>>
      %dma_start3A_12 = tpu.memref_squeeze %dma_start3A_11 : memref<1x632x128xf32, #tpu.memory_space<hbm>> -> memref<632x128xf32, #tpu.memory_space<hbm>>
      %dma_start3A_13 = arith.constant 0 : i32
      %dma_start3A_14 = tpu.memref_slice %arg10[%mul3A_2, %dma_start3A_13] : memref<10112x128xf32, #tpu.memory_space<vmem_shared>> -> memref<632x128xf32, #tpu.memory_space<vmem_shared>>
      tpu.enqueue_dma source(%dma_start3A_14 : memref<632x128xf32, #tpu.memory_space<vmem_shared>>) target(%dma_start3A_12 : memref<632x128xf32, #tpu.memory_space<hbm>>) target_semaphore(%run_scoped3A : memref<!tpu.dma_semaphore, #tpu.memory_space<semaphore_mem>>)
      %dma_wait3A = arith.constant 0 : i32
      %dma_wait3A_15 = tpu.memref_slice %arg6[%arg0, %mul3A_2, %dma_wait3A] : memref<2x10112x128xf32, #tpu.memory_space<hbm>> -> memref<1x632x128xf32, #tpu.memory_space<hbm>>
      %dma_wait3A_16 = tpu.memref_squeeze %dma_wait3A_15 : memref<1x632x128xf32, #tpu.memory_space<hbm>> -> memref<632x128xf32, #tpu.memory_space<hbm>>
      %dma_wait3A_17 = arith.constant 0 : i32
      %dma_wait3A_18 = tpu.memref_slice %arg10[%mul3A_2, %dma_wait3A_17] : memref<10112x128xf32, #tpu.memory_space<vmem_shared>> -> memref<632x128xf32, #tpu.memory_space<vmem_shared>>
      tpu.wait_dma2 semaphore(%run_scoped3A : memref<!tpu.dma_semaphore, #tpu.memory_space<semaphore_mem>>) src(%dma_wait3A_18 : memref<632x128xf32, #tpu.memory_space<vmem_shared>>) dst(%dma_wait3A_16 : memref<632x128xf32, #tpu.memory_space<hbm>>)
      tpu.yield
    }) : () -> ()
    return
  }
}

module attributes {stable_mosaic.version = 14 : i64} {
  func.func @_w_body(%arg0: i32, %arg1: memref<9x9xf32, #tpu.memory_space<smem>>, %arg2: memref<9x128x128xf32, #tpu.memory_space<vmem>>, %arg3: memref<1x128x128xf32, #tpu.memory_space<vmem>>) attributes {dimension_semantics = [#tpu.dimension_semantics<arbitrary>], iteration_bounds = array<i64: 9>, scalar_prefetch = 0 : i64, scratch_operands = 0 : i64, tpu.core_type = #tpu.core_type<tc>, window_params = [{transform_indices = @transform_0, window_bounds = array<i64: 9, 9>}, {pipeline_mode = #tpu.pipeline_mode<synchronous>, transform_indices = @transform_1, window_bounds = array<i64: 9, 128, 128>}, {transform_indices = @transform_2, window_bounds = array<i64: 1, 128, 128>}]} {
    %broadcast_in_dim3A = arith.constant 0.000000e+00 : f32
    %broadcast_in_dim3A_0 = vector.broadcast %broadcast_in_dim3A : f32 to vector<128x128xf32>
    %scan3A = arith.constant 0 : i32
    %scan3A_1 = arith.constant 9 : i32
    %scan3A_2 = arith.addi %scan3A, %scan3A_1 : i32
    %scan3A_3 = arith.constant 1 : i32
    %scan3A_4 = scf.for %scan3A_11 = %scan3A to %scan3A_2 step %scan3A_3 iter_args(%scan3A_12 = %broadcast_in_dim3A_0) -> (vector<128x128xf32>)  : i32 {
      %get3A = arith.index_cast %arg0 : i32 to index
      %get3A_13 = arith.index_cast %scan3A_11 : i32 to index
      %get3A_14 = memref.load %arg1[%get3A, %get3A_13] : memref<9x9xf32, #tpu.memory_space<smem>>
      %get3A_15 = arith.index_cast %scan3A_11 : i32 to index
      %get3A_16 = arith.constant 0 : index
      %get3A_17 = arith.constant 0 : index
      %get3A_18 = vector.load %arg2[%get3A_15, %get3A_16, %get3A_17] : memref<9x128x128xf32, #tpu.memory_space<vmem>>, vector<1x128x128xf32>
      %get3A_19 = vector.shape_cast %get3A_18 : vector<1x128x128xf32> to vector<128x128xf32>
      %mul3A = vector.broadcast %get3A_14 : f32 to vector<128x128xf32>
      %mul3A_20 = arith.mulf %mul3A, %get3A_19 : vector<128x128xf32>
      %add3A = arith.addf %scan3A_12, %mul3A_20 : vector<128x128xf32>
      scf.yield %add3A : vector<128x128xf32>
    }
    %scan3A_5 = arith.constant 9 : i32
    %swap3A = arith.constant 0 : index
    %swap3A_6 = arith.constant 0 : index
    %swap3A_7 = arith.constant 0 : index
    %swap3A_8 = vector.load %arg3[%swap3A, %swap3A_6, %swap3A_7] : memref<1x128x128xf32, #tpu.memory_space<vmem>>, vector<1x128x128xf32>
    %swap3A_9 = vector.shape_cast %swap3A_8 : vector<1x128x128xf32> to vector<128x128xf32>
    %swap3A_10 = vector.shape_cast %scan3A_4 : vector<128x128xf32> to vector<1x128x128xf32>
    tpu.vector_store %arg3[%swap3A, %swap3A_6, %swap3A_7], %swap3A_10 {strides = array<i32>} : memref<1x128x128xf32, #tpu.memory_space<vmem>>, vector<1x128x128xf32>,
    return
  }
  func.func @transform_0(%arg0: i32) -> (i32, i32) {
    %c0_i32 = arith.constant 0 : i32
    %c0_i32_0 = arith.constant 0 : i32
    %c0_i32_1 = arith.constant 0 : i32
    return %c0_i32, %c0_i32_0 : i32, i32
  }
  func.func @transform_1(%arg0: i32) -> (i32, i32, i32) {
    %c0_i32 = arith.constant 0 : i32
    %c0_i32_0 = arith.constant 0 : i32
    %c0_i32_1 = arith.constant 0 : i32
    %c0_i32_2 = arith.constant 0 : i32
    return %c0_i32, %c0_i32_0, %c0_i32_1 : i32, i32, i32
  }
  func.func @transform_2(%arg0: i32) -> (i32, i32, i32) {
    %c0_i32 = arith.constant 0 : i32
    %c0_i32_0 = arith.constant 0 : i32
    %c0_i32_1 = arith.constant 0 : i32
    return %arg0, %c0_i32, %c0_i32_0 : i32, i32, i32
  }
}

module attributes {stable_mosaic.version = 14 : i64} {
  func.func @_h_body(%arg0: i32, %arg1: i32, %arg2: memref<1x128x128xf32, #tpu.memory_space<vmem>>, %arg3: memref<400x128xf32, #tpu.memory_space<vmem>>, %arg4: memref<1x400x128xf32, #tpu.memory_space<vmem>>) attributes {dimension_semantics = [#tpu.dimension_semantics<arbitrary>, #tpu.dimension_semantics<arbitrary>], iteration_bounds = array<i64: 9, 25>, scalar_prefetch = 0 : i64, scratch_operands = 0 : i64, tpu.core_type = #tpu.core_type<tc>, window_params = [{transform_indices = @transform_0, window_bounds = array<i64: 1, 128, 128>}, {transform_indices = @transform_1, window_bounds = array<i64: 400, 128>}, {transform_indices = @transform_2, window_bounds = array<i64: 1, 400, 128>}]} {
    %get3A = arith.constant 0 : index
    %get3A_0 = arith.constant 0 : index
    %get3A_1 = vector.load %arg3[%get3A, %get3A_0] : memref<400x128xf32, #tpu.memory_space<vmem>>, vector<400x128xf32>
    %get3A_2 = arith.constant 0 : index
    %get3A_3 = arith.constant 0 : index
    %get3A_4 = arith.constant 0 : index
    %get3A_5 = vector.load %arg2[%get3A_2, %get3A_3, %get3A_4] : memref<1x128x128xf32, #tpu.memory_space<vmem>>, vector<1x128x128xf32>
    %get3A_6 = vector.shape_cast %get3A_5 : vector<1x128x128xf32> to vector<128x128xf32>
    %dot_general3A = arith.constant dense<0.000000e+00> : vector<400x128xf32>
    %dot_general3A_7 = tpu.matmul %get3A_1, %get3A_6, %dot_general3A {dimension_numbers = #tpu.dot_dimension_numbers<[1], [0], [0], [1], [0, 0, 1, 1], [], []>, transpose_lhs_hint = false} : vector<400x128xf32>, vector<128x128xf32>, vector<400x128xf32> -> vector<400x128xf32>
    %swap3A = arith.constant 0 : index
    %swap3A_8 = arith.constant 0 : index
    %swap3A_9 = arith.constant 0 : index
    %swap3A_10 = vector.load %arg4[%swap3A, %swap3A_8, %swap3A_9] : memref<1x400x128xf32, #tpu.memory_space<vmem>>, vector<1x400x128xf32>
    %swap3A_11 = vector.shape_cast %swap3A_10 : vector<1x400x128xf32> to vector<400x128xf32>
    %swap3A_12 = vector.shape_cast %dot_general3A_7 : vector<400x128xf32> to vector<1x400x128xf32>
    tpu.vector_store %arg4[%swap3A, %swap3A_8, %swap3A_9], %swap3A_12 {strides = array<i32>} : memref<1x400x128xf32, #tpu.memory_space<vmem>>, vector<1x400x128xf32>,
    return
  }
  func.func @transform_0(%arg0: i32, %arg1: i32) -> (i32, i32, i32) {
    %c0_i32 = arith.constant 0 : i32
    %c0_i32_0 = arith.constant 0 : i32
    %c0_i32_1 = arith.constant 0 : i32
    return %arg0, %c0_i32, %c0_i32_0 : i32, i32, i32
  }
  func.func @transform_1(%arg0: i32, %arg1: i32) -> (i32, i32) {
    %c0_i32 = arith.constant 0 : i32
    %c0_i32_0 = arith.constant 0 : i32
    return %arg1, %c0_i32 : i32, i32
  }
  func.func @transform_2(%arg0: i32, %arg1: i32) -> (i32, i32, i32) {
    %c0_i32 = arith.constant 0 : i32
    %c0_i32_0 = arith.constant 0 : i32
    return %arg0, %arg1, %c0_i32 : i32, i32, i32
  }
}

module attributes {stable_mosaic.version = 14 : i64} {
  func.func @_feat_body(%arg0: i32, %arg1: memref<400x12xf32, #tpu.memory_space<vmem>>, %arg2: memref<400x2880xf32, #tpu.memory_space<vmem>>, %arg3: memref<400x128xf32, #tpu.memory_space<vmem>>, %arg4: memref<12x32xf32, #tpu.memory_space<vmem>>, %arg5: memref<1x32xf32, #tpu.memory_space<vmem>>, %arg6: memref<2880x64xf32, #tpu.memory_space<vmem>>, %arg7: memref<1x64xf32, #tpu.memory_space<vmem>>, %arg8: memref<128x32xf32, #tpu.memory_space<vmem>>, %arg9: memref<1x32xf32, #tpu.memory_space<vmem>>, %arg10: memref<400x128xf32, #tpu.memory_space<vmem>>) attributes {dimension_semantics = [#tpu.dimension_semantics<arbitrary>], iteration_bounds = array<i64: 25>, scalar_prefetch = 0 : i64, scratch_operands = 0 : i64, tpu.core_type = #tpu.core_type<tc>, window_params = [{transform_indices = @transform_0, window_bounds = array<i64: 400, 12>}, {transform_indices = @transform_1, window_bounds = array<i64: 400, 2880>}, {transform_indices = @transform_2, window_bounds = array<i64: 400, 128>}, {pipeline_mode = #tpu.pipeline_mode<synchronous>, transform_indices = @transform_3, window_bounds = array<i64: 12, 32>}, {pipeline_mode = #tpu.pipeline_mode<synchronous>, transform_indices = @transform_4, window_bounds = array<i64: 1, 32>}, {pipeline_mode = #tpu.pipeline_mode<synchronous>, transform_indices = @transform_5, window_bounds = array<i64: 2880, 64>}, {pipeline_mode = #tpu.pipeline_mode<synchronous>, transform_indices = @transform_6, window_bounds = array<i64: 1, 64>}, {pipeline_mode = #tpu.pipeline_mode<synchronous>, transform_indices = @transform_7, window_bounds = array<i64: 128, 32>}, {pipeline_mode = #tpu.pipeline_mode<synchronous>, transform_indices = @transform_8, window_bounds = array<i64: 1, 32>}, {transform_indices = @transform_9, window_bounds = array<i64: 400, 128>}]} {
    %get3A = arith.constant 0 : index
    %get3A_0 = arith.constant 0 : index
    %get3A_1 = vector.load %arg1[%get3A, %get3A_0] : memref<400x12xf32, #tpu.memory_space<vmem>>, vector<400x12xf32>
    %get3A_2 = arith.constant 0 : index
    %get3A_3 = arith.constant 0 : index
    %get3A_4 = vector.load %arg4[%get3A_2, %get3A_3] : memref<12x32xf32, #tpu.memory_space<vmem>>, vector<12x32xf32>
    %dot_general3A = arith.constant dense<0.000000e+00> : vector<400x32xf32>
    %dot_general3A_5 = tpu.matmul %get3A_1, %get3A_4, %dot_general3A {dimension_numbers = #tpu.dot_dimension_numbers<[1], [0], [0], [1], [0, 0, 1, 1], [], []>, transpose_lhs_hint = false} : vector<400x12xf32>, vector<12x32xf32>, vector<400x32xf32> -> vector<400x32xf32>
    %get3A_6 = arith.constant 0 : index
    %get3A_7 = arith.constant 0 : index
    %get3A_8 = vector.load %arg5[%get3A_6, %get3A_7] : memref<1x32xf32, #tpu.memory_space<vmem>>, vector<1x32xf32>
    %add3A = vector.broadcast %get3A_8 : vector<1x32xf32> to vector<400x32xf32>
    %add3A_9 = arith.addf %dot_general3A_5, %add3A : vector<400x32xf32>
    %get3A_10 = arith.constant 0 : index
    %get3A_11 = arith.constant 0 : index
    %get3A_12 = vector.load %arg2[%get3A_10, %get3A_11] : memref<400x2880xf32, #tpu.memory_space<vmem>>, vector<400x2880xf32>
    %get3A_13 = arith.constant 0 : index
    %get3A_14 = arith.constant 0 : index
    %get3A_15 = vector.load %arg6[%get3A_13, %get3A_14] : memref<2880x64xf32, #tpu.memory_space<vmem>>, vector<2880x64xf32>
    %dot_general3A_16 = arith.constant dense<0.000000e+00> : vector<400x64xf32>
    %dot_general3A_17 = tpu.matmul %get3A_12, %get3A_15, %dot_general3A_16 {dimension_numbers = #tpu.dot_dimension_numbers<[1], [0], [0], [1], [0, 0, 1, 1], [], []>, transpose_lhs_hint = false} : vector<400x2880xf32>, vector<2880x64xf32>, vector<400x64xf32> -> vector<400x64xf32>
    %get3A_18 = arith.constant 0 : index
    %get3A_19 = arith.constant 0 : index
    %get3A_20 = vector.load %arg7[%get3A_18, %get3A_19] : memref<1x64xf32, #tpu.memory_space<vmem>>, vector<1x64xf32>
    %add3A_21 = vector.broadcast %get3A_20 : vector<1x64xf32> to vector<400x64xf32>
    %add3A_22 = arith.addf %dot_general3A_17, %add3A_21 : vector<400x64xf32>
    %get3A_23 = arith.constant 0 : index
    %get3A_24 = arith.constant 0 : index
    %get3A_25 = vector.load %arg3[%get3A_23, %get3A_24] : memref<400x128xf32, #tpu.memory_space<vmem>>, vector<400x128xf32>
    %get3A_26 = arith.constant 0 : index
    %get3A_27 = arith.constant 0 : index
    %get3A_28 = vector.load %arg8[%get3A_26, %get3A_27] : memref<128x32xf32, #tpu.memory_space<vmem>>, vector<128x32xf32>
    %dot_general3A_29 = arith.constant dense<0.000000e+00> : vector<400x32xf32>
    %dot_general3A_30 = tpu.matmul %get3A_25, %get3A_28, %dot_general3A_29 {dimension_numbers = #tpu.dot_dimension_numbers<[1], [0], [0], [1], [0, 0, 1, 1], [], []>, transpose_lhs_hint = false} : vector<400x128xf32>, vector<128x32xf32>, vector<400x32xf32> -> vector<400x32xf32>
    %get3A_31 = arith.constant 0 : index
    %get3A_32 = arith.constant 0 : index
    %get3A_33 = vector.load %arg9[%get3A_31, %get3A_32] : memref<1x32xf32, #tpu.memory_space<vmem>>, vector<1x32xf32>
    %add3A_34 = vector.broadcast %get3A_33 : vector<1x32xf32> to vector<400x32xf32>
    %add3A_35 = arith.addf %dot_general3A_30, %add3A_34 : vector<400x32xf32>
    %concatenate3A = tpu.concatenate %add3A_9, %add3A_22, %add3A_35 in 1 : vector<400x32xf32>, vector<400x64xf32>, vector<400x32xf32> -> vector<400x128xf32>
    %swap3A = arith.constant 0 : index
    %swap3A_36 = arith.constant 0 : index
    %swap3A_37 = vector.load %arg10[%swap3A, %swap3A_36] : memref<400x128xf32, #tpu.memory_space<vmem>>, vector<400x128xf32>
    tpu.vector_store %arg10[%swap3A, %swap3A_36], %concatenate3A {strides = array<i32>} : memref<400x128xf32, #tpu.memory_space<vmem>>, vector<400x128xf32>,
    return
  }
  func.func @transform_0(%arg0: i32) -> (i32, i32) {
    %c0_i32 = arith.constant 0 : i32
    %c0_i32_0 = arith.constant 0 : i32
    return %arg0, %c0_i32 : i32, i32
  }
  func.func @transform_1(%arg0: i32) -> (i32, i32) {
    %c0_i32 = arith.constant 0 : i32
    %c0_i32_0 = arith.constant 0 : i32
    return %arg0, %c0_i32 : i32, i32
  }
  func.func @transform_2(%arg0: i32) -> (i32, i32) {
    %c0_i32 = arith.constant 0 : i32
    %c0_i32_0 = arith.constant 0 : i32
    return %arg0, %c0_i32 : i32, i32
  }
  func.func @transform_3(%arg0: i32) -> (i32, i32) {
    %c0_i32 = arith.constant 0 : i32
    %c0_i32_0 = arith.constant 0 : i32
    %c0_i32_1 = arith.constant 0 : i32
    return %c0_i32, %c0_i32_0 : i32, i32
  }
  func.func @transform_4(%arg0: i32) -> (i32, i32) {
    %c0_i32 = arith.constant 0 : i32
    %c0_i32_0 = arith.constant 0 : i32
    %c0_i32_1 = arith.constant 0 : i32
    return %c0_i32, %c0_i32_0 : i32, i32
  }
  func.func @transform_5(%arg0: i32) -> (i32, i32) {
    %c0_i32 = arith.constant 0 : i32
    %c0_i32_0 = arith.constant 0 : i32
    %c0_i32_1 = arith.constant 0 : i32
    return %c0_i32, %c0_i32_0 : i32, i32
  }
  func.func @transform_6(%arg0: i32) -> (i32, i32) {
    %c0_i32 = arith.constant 0 : i32
    %c0_i32_0 = arith.constant 0 : i32
    %c0_i32_1 = arith.constant 0 : i32
    return %c0_i32, %c0_i32_0 : i32, i32
  }
  func.func @transform_7(%arg0: i32) -> (i32, i32) {
    %c0_i32 = arith.constant 0 : i32
    %c0_i32_0 = arith.constant 0 : i32
    %c0_i32_1 = arith.constant 0 : i32
    return %c0_i32, %c0_i32_0 : i32, i32
  }
  func.func @transform_8(%arg0: i32) -> (i32, i32) {
    %c0_i32 = arith.constant 0 : i32
    %c0_i32_0 = arith.constant 0 : i32
    %c0_i32_1 = arith.constant 0 : i32
    return %c0_i32, %c0_i32_0 : i32, i32
  }
  func.func @transform_9(%arg0: i32) -> (i32, i32) {
    %c0_i32 = arith.constant 0 : i32
    %c0_i32_0 = arith.constant 0 : i32
    return %arg0, %c0_i32 : i32, i32
  }
}

module attributes {stable_mosaic.version = 14 : i64} {
  func.func @_combine_body(%arg0: i32, %arg1: memref<2x400x128xf32, #tpu.memory_space<vmem>>, %arg2: memref<400x128xf32, #tpu.memory_space<vmem>>, %arg3: memref<1x128xf32, #tpu.memory_space<vmem>>, %arg4: memref<400x128xf32, #tpu.memory_space<vmem>>) attributes {dimension_semantics = [#tpu.dimension_semantics<arbitrary>], iteration_bounds = array<i64: 25>, scalar_prefetch = 0 : i64, scratch_operands = 0 : i64, tpu.core_type = #tpu.core_type<tc>, window_params = [{transform_indices = @transform_0, window_bounds = array<i64: 2, 400, 128>}, {transform_indices = @transform_1, window_bounds = array<i64: 400, 128>}, {pipeline_mode = #tpu.pipeline_mode<synchronous>, transform_indices = @transform_2, window_bounds = array<i64: 1, 128>}, {transform_indices = @transform_3, window_bounds = array<i64: 400, 128>}]} {
    %get3A = arith.constant 0 : index
    %get3A_0 = arith.constant 0 : index
    %get3A_1 = arith.constant 0 : index
    %get3A_2 = vector.load %arg1[%get3A, %get3A_0, %get3A_1] : memref<2x400x128xf32, #tpu.memory_space<vmem>>, vector<1x400x128xf32>
    %get3A_3 = vector.shape_cast %get3A_2 : vector<1x400x128xf32> to vector<400x128xf32>
    %get3A_4 = arith.constant 1 : index
    %get3A_5 = arith.constant 0 : index
    %get3A_6 = arith.constant 0 : index
    %get3A_7 = vector.load %arg1[%get3A_4, %get3A_5, %get3A_6] : memref<2x400x128xf32, #tpu.memory_space<vmem>>, vector<1x400x128xf32>
    %get3A_8 = vector.shape_cast %get3A_7 : vector<1x400x128xf32> to vector<400x128xf32>
    %add3A = arith.addf %get3A_3, %get3A_8 : vector<400x128xf32>
    %get3A_9 = arith.constant 0 : index
    %get3A_10 = arith.constant 0 : index
    %get3A_11 = vector.load %arg2[%get3A_9, %get3A_10] : memref<400x128xf32, #tpu.memory_space<vmem>>, vector<400x128xf32>
    %add3A_12 = arith.addf %add3A, %get3A_11 : vector<400x128xf32>
    %get3A_13 = arith.constant 0 : index
    %get3A_14 = arith.constant 0 : index
    %get3A_15 = vector.load %arg3[%get3A_13, %get3A_14] : memref<1x128xf32, #tpu.memory_space<vmem>>, vector<1x128xf32>
    %add3A_16 = vector.broadcast %get3A_15 : vector<1x128xf32> to vector<400x128xf32>
    %add3A_17 = arith.addf %add3A_12, %add3A_16 : vector<400x128xf32>
    %max3A = arith.constant 0.000000e+00 : f32
    %max3A_18 = vector.broadcast %max3A : f32 to vector<400x128xf32>
    %max3A_19 = arith.maximumf %add3A_17, %max3A_18 : vector<400x128xf32>
    %swap3A = arith.constant 0 : index
    %swap3A_20 = arith.constant 0 : index
    %swap3A_21 = vector.load %arg4[%swap3A, %swap3A_20] : memref<400x128xf32, #tpu.memory_space<vmem>>, vector<400x128xf32>
    tpu.vector_store %arg4[%swap3A, %swap3A_20], %max3A_19 {strides = array<i32>} : memref<400x128xf32, #tpu.memory_space<vmem>>, vector<400x128xf32>,
    return
  }
  func.func @transform_0(%arg0: i32) -> (i32, i32, i32) {
    %c0_i32 = arith.constant 0 : i32
    %c0_i32_0 = arith.constant 0 : i32
    %c0_i32_1 = arith.constant 0 : i32
    return %c0_i32, %arg0, %c0_i32_0 : i32, i32, i32
  }
  func.func @transform_1(%arg0: i32) -> (i32, i32) {
    %c0_i32 = arith.constant 0 : i32
    %c0_i32_0 = arith.constant 0 : i32
    return %arg0, %c0_i32 : i32, i32
  }
  func.func @transform_2(%arg0: i32) -> (i32, i32) {
    %c0_i32 = arith.constant 0 : i32
    %c0_i32_0 = arith.constant 0 : i32
    %c0_i32_1 = arith.constant 0 : i32
    return %c0_i32, %c0_i32_0 : i32, i32
  }
  func.func @transform_3(%arg0: i32) -> (i32, i32) {
    %c0_i32 = arith.constant 0 : i32
    %c0_i32_0 = arith.constant 0 : i32
    return %arg0, %c0_i32 : i32, i32
  }
}

module attributes {stable_mosaic.version = 14 : i64} {
  func.func @_combine_body(%arg0: i32, %arg1: memref<2x400x128xf32, #tpu.memory_space<vmem>>, %arg2: memref<400x128xf32, #tpu.memory_space<vmem>>, %arg3: memref<1x128xf32, #tpu.memory_space<vmem>>, %arg4: memref<400x128xf32, #tpu.memory_space<vmem>>) attributes {dimension_semantics = [#tpu.dimension_semantics<arbitrary>], iteration_bounds = array<i64: 25>, scalar_prefetch = 0 : i64, scratch_operands = 0 : i64, tpu.core_type = #tpu.core_type<tc>, window_params = [{transform_indices = @transform_0, window_bounds = array<i64: 2, 400, 128>}, {transform_indices = @transform_1, window_bounds = array<i64: 400, 128>}, {pipeline_mode = #tpu.pipeline_mode<synchronous>, transform_indices = @transform_2, window_bounds = array<i64: 1, 128>}, {transform_indices = @transform_3, window_bounds = array<i64: 400, 128>}]} {
    %get3A = arith.constant 0 : index
    %get3A_0 = arith.constant 0 : index
    %get3A_1 = arith.constant 0 : index
    %get3A_2 = vector.load %arg1[%get3A, %get3A_0, %get3A_1] : memref<2x400x128xf32, #tpu.memory_space<vmem>>, vector<1x400x128xf32>
    %get3A_3 = vector.shape_cast %get3A_2 : vector<1x400x128xf32> to vector<400x128xf32>
    %get3A_4 = arith.constant 1 : index
    %get3A_5 = arith.constant 0 : index
    %get3A_6 = arith.constant 0 : index
    %get3A_7 = vector.load %arg1[%get3A_4, %get3A_5, %get3A_6] : memref<2x400x128xf32, #tpu.memory_space<vmem>>, vector<1x400x128xf32>
    %get3A_8 = vector.shape_cast %get3A_7 : vector<1x400x128xf32> to vector<400x128xf32>
    %add3A = arith.addf %get3A_3, %get3A_8 : vector<400x128xf32>
    %get3A_9 = arith.constant 0 : index
    %get3A_10 = arith.constant 0 : index
    %get3A_11 = vector.load %arg2[%get3A_9, %get3A_10] : memref<400x128xf32, #tpu.memory_space<vmem>>, vector<400x128xf32>
    %add3A_12 = arith.addf %add3A, %get3A_11 : vector<400x128xf32>
    %get3A_13 = arith.constant 0 : index
    %get3A_14 = arith.constant 0 : index
    %get3A_15 = vector.load %arg3[%get3A_13, %get3A_14] : memref<1x128xf32, #tpu.memory_space<vmem>>, vector<1x128xf32>
    %add3A_16 = vector.broadcast %get3A_15 : vector<1x128xf32> to vector<400x128xf32>
    %add3A_17 = arith.addf %add3A_12, %add3A_16 : vector<400x128xf32>
    %swap3A = arith.constant 0 : index
    %swap3A_18 = arith.constant 0 : index
    %swap3A_19 = vector.load %arg4[%swap3A, %swap3A_18] : memref<400x128xf32, #tpu.memory_space<vmem>>, vector<400x128xf32>
    tpu.vector_store %arg4[%swap3A, %swap3A_18], %add3A_17 {strides = array<i32>} : memref<400x128xf32, #tpu.memory_space<vmem>>, vector<400x128xf32>,
    return
  }
  func.func @transform_0(%arg0: i32) -> (i32, i32, i32) {
    %c0_i32 = arith.constant 0 : i32
    %c0_i32_0 = arith.constant 0 : i32
    %c0_i32_1 = arith.constant 0 : i32
    return %c0_i32, %arg0, %c0_i32_0 : i32, i32, i32
  }
  func.func @transform_1(%arg0: i32) -> (i32, i32) {
    %c0_i32 = arith.constant 0 : i32
    %c0_i32_0 = arith.constant 0 : i32
    return %arg0, %c0_i32 : i32, i32
  }
  func.func @transform_2(%arg0: i32) -> (i32, i32) {
    %c0_i32 = arith.constant 0 : i32
    %c0_i32_0 = arith.constant 0 : i32
    %c0_i32_1 = arith.constant 0 : i32
    return %c0_i32, %c0_i32_0 : i32, i32
  }
  func.func @transform_3(%arg0: i32) -> (i32, i32) {
    %c0_i32 = arith.constant 0 : i32
    %c0_i32_0 = arith.constant 0 : i32
    return %arg0, %c0_i32 : i32, i32
  }
}

</mosaic_0001>

<sc_bundles>
// kernel: kernel.11.cloned.1.call-start
scs
__scs_entry_jumppad:
0x0: {  	(pc) =	sbr.rel $0x88, $3  }
0x1: {  	(tag) =	ssettag $0x0;
	lr =	simm.s32 $0x1  }
0x2: {  	[smem:$0x3F8E] =	sst lr;
	_ =	strace $0xD0000000  }
0x3: {  	_ = 	snop  }
0x4: {  	_ = 	snop  }
0x5: {  	_ = 	snop  }
0x6: {  	_ = 	snop  }
0x7: {  	_ = 	snop  }
__scs_overlays_trampoline_lowered:
0x8: {  	[smem:$0x3F9D] =	sst s0  }
0x9: {  	[smem:$0x3F9E] =	sst s1  }
0xa: {  	[smem:$0x3F9F] =	sst s2  }
0xb: {  	[smem:$0x3FA0] =	sst s3  }
0xc: {  	[smem:$0x3FA1] =	sst s4  }
0xd: {  	[smem:$0x3FA2] =	sst s5  }
0xe: {  	[smem:$0x3FA3] =	sst s6  }
0xf: {  	[smem:$0x3FA4] =	sst s7  }
0x10: {  	[smem:$0x3FA5] =	sst s8  }
0x11: {  	[smem:$0x3FA6] =	sst s9;
	s0 =	simm.s32 @!p0 $0x0  }
0x12: {  	s1 =	sld [smem:$0x3F8C];
	s0 =	simm.s32 @p0 $0x1  }
0x13: {  	[smem:$0x3FA7] =	sst s0;
	s0 =	simm.s32 @!p1 $0x0  }
0x14: {  	s2 =	sld [smem:$0x3F8B];
	s0 =	simm.s32 @p1 $0x1  }
0x15: {  	[smem:$0x3FA8] =	sst s0;
	s0 =	simm.s32 @!p2 $0x0  }
0x16: {  	s3 =	sld [smem:$0x3FDB];
	s0 =	simm.s32 @p2 $0x1  }
0x17: {  	s4 =	simm.s32 $0x1BF5;
	[smem:$0x3FAA] =	sst s0  }
0x18: {  	s0 =	sld [smem:$0x3F8D];
	_ =	swait.ge [sflag:s4], $0x0  }
0x19: {  	s7 =	sld [smem:$0x3F8E]  }
0x1a: {  	s8 =	sadd.s32 $0xFFFFE003, lr  }
0x1b: {  	s9 =	sadd.s32 $0xFFFFFEF7, lr;
	s5 =	simm.s32 $0xFFFFFFFF;
	p2 =	slt.u32 s8, $0xFFFFF086  }
0x1c: {  	p1 =	slt.u32 s9, $0xF7A;
	s5 =	simm.s32 @!p2 $0x0  }
0x1d: {  	s5 =	simm.s32 @p1 $0x1;
	p0 =	seq.s32 s7, s2  }
0x1e: {  	s7 =	smul.u32 @!p0 $0xF7A, s2;
	p2 =	seq.s32 @!p0 s5, $0x0  }
0x1f: {  	s9 =	smul.u32 $0xF7A, s1;
	s8 =	simm.s32 @!p0 $0x1BF5;
	p2 =	por !p2, p0  }
0x20: {  	[sflag:s8] =	ssyncset.s32 @!p0 $0xFFFFF086;
	s6 =	sadd.s32 @!p0 s3, s7;
	s7 =	simm.s32 @!p0 $0x108  }
0x21: {  	s3 =	sadd.s32 s3, s9;
	s6 =	sadd.s32 @!p0 $0x88, s6;
	s7 =	simm.s32 @p2 $0x1082  }
0x22: {  	[simem:s7], [sflag:s8] =	dma.local @!p0 [hbm:s6], $0xF7A  }
0x23: {  	s9 =	sor.u32 $0xD0000000, s2;
	s6 =	simm.s32 $0x108;
	_ =	swait.ge @!p0 [sflag:s8], $0x0  }
0x24: {  	s3 =	sadd.s32 $0x88, s3;
	s6 =	simm.s32 @!p1 $0x1082;
	[sflag:s4] =	ssyncset.s32 $0xFFFFF086  }
0x25: {  	[simem:s6], [sflag:s4] =	dma.local [hbm:s3], $0xF7A  }
0x26: {  	[smem:$0x3F8E] =	sst s1;
	(tag) =	ssettag s2;
	_ =	strace s9  }
0x27: {  	s1 =	sld [smem:$0x3F9E]  }
0x28: {  	s2 =	sld [smem:$0x3F9F]  }
0x29: {  	s4 =	sld [smem:$0x3FA1]  }
0x2a: {  	p0 =	seq.s32 s5, $0x0;
	s5 =	sld [smem:$0x3FA2]  }
0x2b: {  	s6 =	sld [smem:$0x3FA3]  }
0x2c: {  	s7 =	sld [smem:$0x3FA4]  }
0x2d: {  	s3 =	simm.s32 $0x108;
	s8 =	sld [smem:$0x3FA5]  }
0x2e: {  	s3 =	simm.s32 @!p0 $0x1082;
	s9 =	sld [smem:$0x3FA6]  }
0x2f: {  	lr =	sadd.s32 s0, s3;
	s0 =	sld [smem:$0x3F9D]  }
0x30: {  	s3 =	sld [smem:$0x3FA0]  }
0x31: {  	[smem:$0x3FA9] =	sst s10  }
0x32: {  	s10 =	sld [smem:$0x3FA7];
	_ =	sdelay $0x3  }
0x33: {  	p0 =	seq.s32 s10, $0x1;
	s10 =	sld [smem:$0x3FA9];
	_ =	sdelay $0x3  }
0x34: {  	[smem:$0x3FA9] =	sst s10  }
0x35: {  	s10 =	sld [smem:$0x3FA8];
	_ =	sdelay $0x3  }
0x36: {  	p1 =	seq.s32 s10, $0x1;
	s10 =	sld [smem:$0x3FA9];
	_ =	sdelay $0x3  }
0x37: {  	[smem:$0x3FA9] =	sst s10  }
0x38: {  	s10 =	sld [smem:$0x3FAA]  }
0x39: {  	_ = 	snop;
	(pc) =	sbr.ind lr, $3  }
0x3a: {  	_ = 	snop  }
0x3b: {  	_ = 	snop  }
0x3c: {  	p2 =	seq.s32 s10, $0x1;
	s10 =	sld [smem:$0x3FA9]  }
0x3d: {  	_ =	shalt  }
0x3e: {  	_ =	shalt  }
0x3f: {  	_ =	shalt  }
0x40: {  	_ =	shalt  }
0x41: {  	_ =	shalt  }
0x42: {  	_ =	shalt  }
0x43: {  	_ =	shalt  }
0x44: {  	_ =	shalt  }
0x45: {  	_ =	shalt  }
0x46: {  	_ =	shalt  }
0x47: {  	_ =	shalt  }
0x48: {  	_ =	shalt  }
0x49: {  	_ =	shalt  }
0x4a: {  	_ =	shalt  }
0x4b: {  	_ =	shalt  }
0x4c: {  	_ =	shalt  }
0x4d: {  	_ =	shalt  }
0x4e: {  	_ =	shalt  }
0x4f: {  	_ =	shalt  }
0x50: {  	_ =	shalt  }
0x51: {  	_ =	shalt  }
0x52: {  	_ =	shalt  }
0x53: {  	_ =	shalt  }
0x54: {  	_ =	shalt  }
0x55: {  	_ =	shalt  }
0x56: {  	_ =	shalt  }
0x57: {  	_ =	shalt  }
0x58: {  	_ =	shalt  }
0x59: {  	_ =	shalt  }
0x5a: {  	_ =	shalt  }
0x5b: {  	_ =	shalt  }
0x5c: {  	_ =	shalt  }
0x5d: {  	_ =	shalt  }
0x5e: {  	_ =	shalt  }
0x5f: {  	_ =	shalt  }
0x60: {  	_ =	shalt  }
0x61: {  	_ =	shalt  }
0x62: {  	_ =	shalt  }
0x63: {  	_ =	shalt  }
0x64: {  	_ =	shalt  }
0x65: {  	_ =	shalt  }
0x66: {  	_ =	shalt  }
0x67: {  	_ =	shalt  }
0x68: {  	_ =	shalt  }
0x69: {  	_ =	shalt  }
0x6a: {  	_ =	shalt  }
0x6b: {  	_ =	shalt  }
0x6c: {  	_ =	shalt  }
0x6d: {  	_ =	shalt  }
0x6e: {  	_ =	shalt  }
0x6f: {  	_ =	shalt  }
0x70: {  	_ =	shalt  }
0x71: {  	_ =	shalt  }
0x72: {  	_ =	shalt  }
0x73: {  	_ =	shalt  }
0x74: {  	_ =	shalt  }
0x75: {  	_ =	shalt  }
0x76: {  	_ =	shalt  }
0x77: {  	_ =	shalt  }
0x78: {  	_ =	shalt  }
0x79: {  	_ =	shalt  }
0x7a: {  	_ =	shalt  }
0x7b: {  	_ =	shalt  }
0x7c: {  	_ =	shalt  }
0x7d: {  	_ =	shalt  }
0x7e: {  	_ =	shalt  }
0x7f: {  	_ =	shalt  }
0x80: {  	_ =	shalt  }
0x81: {  	_ =	shalt  }
0x82: {  	_ =	shalt  }
0x83: {  	_ =	shalt  }
0x84: {  	_ =	shalt  }
0x85: {  	_ =	shalt  }
0x86: {  	_ =	shalt  }
0x87: {  	_ =	shalt  }
.Lfunc_end0:
.L_simem_size_0:
called_computation_lowered:
.L_overlay_start_0:
0x88: {  	s2 =	sld [smem:$0x3FD9]  }
0x89: {  	s3 =	sld [smem:$0x3FFE];
	_ =	sdelay $0x1  }
0x8a: {  	s1 =	srdreg.scid  }
0x8b: {  	s0 =	sand.u32 $0x1, s1  }
0x8c: {  	s17 =	sshll.u32 s0, $0xA;
	s2 =	sadd.s32 s3, s2  }
0x8d: {  	s2 =	sadd.s32 s2, s17  }
0x8e: {  	[smem:$0x3FB5] =	sst s2  }
0x8f: {  	_ = 	snop  }
0x90: {  	s2 =	sld [smem:$0x3FD0];
	(tm) =	ssettm $0x1  }
0x91: {  	s18 =	sld [smem:$0x3FFB];
	_ =	sdelay $0x3  }
0x92: {  	_ =	strace s18  }
0x93: {  	s3 =	sld [smem:$0x3FFC];
	_ =	sdelay $0x3  }
0x94: {  	_ =	strace s3  }
0x95: {  	s3 =	sld [smem:$0x3FFD];
	_ =	sdelay $0x3  }
0x96: {  	_ =	strace s3  }
0x97: {  	_ =	strace $0x8FFFFFFF  }
0x98: {  	s19 =	sld [smem:$0x3FDB];
	_ =	sdelay $0x1  }
0x99: {  	s4 =	simm.s32 $_scs_section_size  }
0x9a: {  	s5 =	simm.s32 $_size__tile_overlayer_lowered;
	s6 =	simm.s32 $_tile_overlayer_lowered  }
0x9b: {  	s22 =	simm.s32 $0x1BFF;
	s21 =	sshll.u32 s6, $0x1;
	s3 =	sadd.s32 s4, s19  }
0x9c: {  	s7 =	simm.s32 $0x0;
	s20 =	sshll.u32 s5, $0x1;
	s5 =	sadd.s32 s21, s3  }
0x9d: {  	[timem:s7], [sflag:s22] =	dma.local [hbm:s5], s20  }
0x9e: {  	_ =	swait.ge [sflag:s22], s20  }
0x9f: {  	s4 =	ssub.s32 $0x0, s20;
	[sflag:s22] =	ssyncset.done $0x0  }
0xa0: {  	[sflag:s22] =	ssyncadd.s32 s4;
	_ =	sdelay $0x1  }
0xa1: {  	s23 =	simm.s32 $0x1B8B  }
0xa2: {  	_ =	swait.ge [sflag:s23], $0x1  }
0xa3: {  	[sflag:s23] =	ssyncset.done $0x0  }
0xa4: {  	s25 =	simm.s32 $0x1B8E;
	s24 =	sld [smem:$0x3FFE];
	[sflag:s23] =	ssyncadd.s32 $0xFFFFFFFF  }
0xa5: {  	s26 =	simm.s32 $execute0_lowered;
	[smem:$0x3FD2] =	sst s25  }
0xa6: {  	s5 =	sshll.u32 s26, $0x1;
	_ =	strace $0x80000046;
	[dreg:$0x1] =	wrdreg $0xFFFFFFFF  }
0xa7: {  	s28 =	simm.s32 $_size_execute0_lowered;
	s3 =	sadd.s32 s3, s5;
	[dreg:$0x0] =	wrdreg $0x0  }
0xa8: {  	s5 =	sshll.u32 s28, $0x1;
	[dreg:$0x2] =	wrdreg s3  }
0xa9: {  	[dreg:$0x3] =	wrdreg s5  }
0xaa: {  	[dreg:$0x4] =	wrdreg $0xC0  }
0xab: {  	_ =	task [dreg:s7], $0x5FFFF  }
0xac: {  	[dreg:$0x1] =	wrdreg $0xFFFFFFFF  }
0xad: {  	[dreg:$0x0] =	wrdreg $0x60  }
0xae: {  	[dreg:$0x2] =	wrdreg s24  }
0xaf: {  	[dreg:$0x3] =	wrdreg s2  }
0xb0: {  	[dreg:$0x4] =	wrdreg $0x41000  }
0xb1: {  	[dreg:$0x5] =	wrdreg $0x9  }
0xb2: {  	_ =	task.clear_ibuf [dreg:s7], $0x6FFFF;
	_ =	strace $0x90000046  }
0xb3: {  	s29 =	simm.s32 $0x9;
	_ =	strace $0x80000048  }
0xb4: {  	_ =	swait.ge [sflag:s29], $0x1  }
0xb5: {  	[sflag:s29] =	ssyncadd.s32 $0xFFFFFFFF  }
0xb6: {  	_ =	strace $0x90000048  }
0xb7: {  	_ =	sfence  }
0xb8: {  	s30 =	sld [smem:$0x0];
	_ =	sdelay $0x2  }
0xb9: {  	s31 =	sshll.u32 s1, $0xD;
	s1 =	sshrl.u32 s1, $0x2  }
0xba: {  	s3 =	sand.u32 $0x4000, s31;
	s1 =	sadd.s32 s1, s30  }
0xbb: {  	s0 =	sor.u32 s3, s0;
	s1 =	sshll.u32 s1, $0x11  }
0xbc: {  	s0 =	sor.u32 s1, s0  }
0xbd: {  	s0 =	sadd.s32 $0x8F2B, s0  }
0xbe: {  	[sflag:s0] =	ssyncadd.remote.s32 $0x1  }
0xbf: {  	_ =	sfence.sel $0xFFFF  }
0xc0: {  	[dreg:$0x0] =	wrdreg $0xFFFFFFFF;
	(pc) =	sbr.abs _section_cstart, $3  }
0xc1: {  	[dreg:$0x1] =	wrdreg $0xFFFFFFFF  }
0xc2: {  	_ =	task.clear_ibuf [dreg:s7], $0x2FFFF;
	_ =	strace $0x9FFFFFFF  }
0xc3: {  	(tm) =	ssettm $0x7FFFFFFF  }
tec
execute0_lowered:
.L_overlay_start_1:
0x0: {  	(tag) =	ssettag $0x1  }
0x1: {  	s5 =	rddreg [dreg:$0x0]  }
0x2: {  	s8 =	rddreg [dreg:$0x1]  }
0x3: {  	s2 =	rddreg [dreg:$0x2]  }
0x4: {  	s0 =	rddreg [dreg:$0x3]  }
0x5: {  	s1 =	stileid.u32;
	s4 =	srdreg.scid  }
0x6: {  	s3 =	simm.s32 $0x0;
	s16 =	simm.s32 $0x0;
	s9 =	smul.u32 $0x9E0, s1  }
0x7: {  	s6 =	smul.u32 $0x13C00, s1;
	s7 =	sand.u32 $0x1, s4;
	[smem:$0x7FF] =	sst s3  }
0x8: {  	s4 =	sadd.s32 $0x2C00, s5;
	s14 =	smul.u32 $0x4F000, s1;
	s29 =	sshll.u32 s1, $0x6  }
0x9: {  	s10 =	smul.u32 $0x13C000, s7;
	_ =	strace $0x80000047;
	s26 =	ssub.s32 $0x2, s7  }
0xa: {  	s30 =	smul.u32 $0x4F0, s7;
	s11 =	sadd.s32 s9, s5;
	s12 =	sshrl.u32 s6, $0x3  }
0xb: {  	s13 =	sshrl.u32 s26, $0x1;
	s28 =	sshrl.u32 s14, $0x2;
	s31 =	sadd.s32 s9, s8  }
0xc: {  	s6 =	sadd.s32 s6, s10;
	s12 =	sadd.s32 s12, s5;
	s10 =	ssub.s32 s26, s13  }
0xd: {  	s14 =	sadd.s32 s28, s2;
	s11 =	sadd.s32 s30, s11;
	s13 =	simm.s32 $0x80  }
0xe: {  	s6 =	sshrl.u32 s6, $0x3;
	s8 =	smax.u32 s10, $0x1;
	s9 =	sadd.s32 $0x162600, s11  }
0xf: {  	s10 =	sadd.s32 s30, s31;
	s11 =	sshrl.u32 s14, $0x3;
	s14 =	simm.s32 $0x100  }
0x10: {  	s15 =	sadd.s32 s6, s5;
	s5 =	sadd.s32 $0x16C400, s12;
	s6 =	sor.u32 $0x1C02, s29  }
0x11: {  	s12 =	simm.s32 $0x2;
	s7 =	sadd.s32 $0x193C00, s15;
	s15 =	simm.s32 $0x1  }
.LBB2_1:
0x12: {  	[spmem:s11], [sflag:s6] =	dma.local [hbm:s5], $0x2780  }
0x13: {  	_ =	swait.ge [sflag:s12], $0x2780  }
0x14: {  	[sflag:s12] =	ssyncset.done $0x0  }
0x15: {  	[sflag:s12] =	ssyncadd.s32 $0xFFFFD880  }
0x16: {  	s17 =	sadd.s32 $0x0, s10;
	[bflag:$0x0] =	sbarrier.arrive $0xFFFF  }
0x17: {  	[tilespmem:s3], [sflag:$0x2] =	stream.linear.gather [hbm4b:s17+s3], $0x80, $0x38;
	[tilespmem:$0x17D00] =	vst v63  }
0x18: {  	_ =	swait.ge [sflag:s12], $0x80  }
0x19: {  	[sflag:s12] =	ssyncset.done $0x0  }
0x1a: {  	s31 =	sadd.s32 $0x0, s9;
	[sflag:s12] =	ssyncadd.s32 $0xFFFFFF80  }
0x1b: {  	[tilespmem:s13], [sflag:$0x2] =	stream.linear.gather [hbm4b:s31+s3], $0x80, $0x38;
	[tilespmem:$0x17D00] =	vst v63  }
0x1c: {  	_ =	swait.ge [sflag:s12], $0x80  }
0x1d: {  	[sflag:s12] =	ssyncset.done $0x0  }
0x1e: {  	[sflag:s12] =	ssyncadd.s32 $0xFFFFFF80  }
0x1f: {  	[tilespmem:s14], [sflag:$0x1] =	stream.indirect.gather [hbm4b:s4+s13], $0x80, s3, s13, $0xb8;
	[tilespmem:$0x17D00] =	vst v63  }
0x20: {  	_ =	swait.ge [sflag:s15], $0x4000  }
0x21: {  	[sflag:s15] =	ssyncset.done $0x0  }
0x22: {  	[sflag:s15] =	ssyncadd.s32 $0xFFFFC000  }
0x23: {  	[spmem:s2] =	stream.indirect.scatter.add.f32 [tilespmem:s14], [sflag:$0x2], $0x80, s13, s13, $0xb8;
	[tilespmem:$0x17D00] =	vst v63  }
0x24: {  	_ =	swait.ge [sflag:s12], $0x4000  }
0x25: {  	s18 =	simm.s32 $0x20;
	s17 =	simm.s32 $0x10;
	[sflag:s12] =	ssyncset.done $0x0  }
.LBB2_2:
0x26: {  	s19 =	sadd.s32 s17, s10  }
0x27: {  	[sflag:s12] =	ssyncadd.s32 $0xFFFFC000;
	s20 =	smov.u32 s18;
	s21 =	sadd.s32 $0x10, s18  }
0x28: {  	[tilespmem:s3], [sflag:$0x2] =	stream.linear.gather [hbm4b:s19+s3], $0x80, $0x38;
	[tilespmem:$0x17D00] =	vst v63  }
0x29: {  	p0 =	sne.s32 s18, $0x4E0;
	_ =	swait.ge [sflag:s12], $0x80  }
0x2a: {  	[sflag:s12] =	ssyncset.done $0x0  }
0x2b: {  	s18 =	sadd.s32 s17, s9;
	s17 =	smov.u32 s20;
	[sflag:s12] =	ssyncadd.s32 $0xFFFFFF80  }
0x2c: {  	[tilespmem:s13], [sflag:$0x2] =	stream.linear.gather [hbm4b:s18+s3], $0x80, $0x38;
	[tilespmem:$0x17D00] =	vst v63  }
0x2d: {  	_ =	swait.ge [sflag:s12], $0x80  }
0x2e: {  	[sflag:s12] =	ssyncset.done $0x0  }
0x2f: {  	[sflag:s12] =	ssyncadd.s32 $0xFFFFFF80  }
0x30: {  	[tilespmem:s14], [sflag:$0x1] =	stream.indirect.gather [hbm4b:s4+s13], $0x80, s3, s13, $0xb8;
	[tilespmem:$0x17D00] =	vst v63  }
0x31: {  	_ =	swait.ge [sflag:s15], $0x4000  }
.Ltmp0:
0x32: {  	[sflag:s15] =	ssyncset.done $0x0;
	(pc) =	sbr.rel @p0 .LBB2_2-.Ltmp0, $4  }
0x33: {  	[sflag:s15] =	ssyncadd.s32 $0xFFFFC000  }
0x34: {  	[spmem:s2] =	stream.indirect.scatter.add.f32 [tilespmem:s14], [sflag:$0x2], $0x80, s13, s13, $0xb8;
	[tilespmem:$0x17D00] =	vst v63  }
0x35: {  	_ =	swait.ge [sflag:s12], $0x4000  }
0x36: {  	s18 =	smov.u32 s21;
	[sflag:s12] =	ssyncset.done $0x0  }
0x37: {  	s18 =	sadd.s32 s17, s10;
	[sflag:s12] =	ssyncadd.s32 $0xFFFFC000  }
0x38: {  	[tilespmem:s3], [sflag:$0x2] =	stream.linear.gather [hbm4b:s18+s3], $0x80, $0x38;
	[tilespmem:$0x17D00] =	vst v63  }
0x39: {  	_ =	swait.ge [sflag:s12], $0x80  }
0x3a: {  	[sflag:s12] =	ssyncset.done $0x0  }
0x3b: {  	s31 =	sadd.s32 s17, s9;
	[sflag:s12] =	ssyncadd.s32 $0xFFFFFF80  }
0x3c: {  	[tilespmem:s13], [sflag:$0x2] =	stream.linear.gather [hbm4b:s31+s3], $0x80, $0x38;
	[tilespmem:$0x17D00] =	vst v63  }
0x3d: {  	_ =	swait.ge [sflag:s12], $0x80  }
0x3e: {  	[sflag:s12] =	ssyncset.done $0x0  }
0x3f: {  	[sflag:s12] =	ssyncadd.s32 $0xFFFFFF80  }
0x40: {  	[tilespmem:s14], [sflag:$0x1] =	stream.indirect.gather [hbm4b:s4+s13], $0x80, s3, s13, $0xb8;
	[tilespmem:$0x17D00] =	vst v63  }
0x41: {  	_ =	swait.ge [sflag:s15], $0x4000  }
0x42: {  	[sflag:s15] =	ssyncset.done $0x0  }
0x43: {  	[sflag:s15] =	ssyncadd.s32 $0xFFFFC000  }
0x44: {  	[spmem:s2] =	stream.indirect.scatter.add.f32 [tilespmem:s14], [sflag:$0x2], $0x80, s13, s13, $0xb8;
	[tilespmem:$0x17D00] =	vst v63  }
0x45: {  	_ =	swait.ge [sflag:s12], $0x4000  }
0x46: {  	s16 =	sadd.s32 $0x1, s16;
	[sflag:s12] =	ssyncset.done $0x0  }
0x47: {  	p0 =	sne.s32 s16, s8;
	[sflag:s12] =	ssyncadd.s32 $0xFFFFC000  }
.Ltmp1:
0x48: {  	[bflag:$0x0] =	sbarrier.arrive $0xFFFF;
	(pc) =	sbr.rel @p0 .LBB2_1-.Ltmp1, $4  }
0x49: {  	[hbm:s7], [sflag:s6] =	dma.local [spmem:s11], $0x2780  }
0x4a: {  	_ =	swait.ge [sflag:s12], $0x2780  }
0x4b: {  	[sflag:s12] =	ssyncset.done $0x0  }
0x4c: {  	[sflag:s12] =	ssyncadd.s32 $0xFFFFD880  }
0x4d: {  	_ =	sfence.sel $0x180000  }
0x4e: {  	[bflag:$0x0] =	sbarrier.arrive $0xFFFF  }
0x4f: {  	p0 =	sne.s32 s1, $0x0;
	_ =	strace $0x90000047  }
0x50: {  	s0 =	sadd.s32 @!p0 $0x100000, s0;
	[bflag:$0x2] =	sbarrier.arrive $0xFFFF  }
0x51: {  	[sflag:s0] =	ssyncadd.tile.s32 @!p0 $0x1;
	_ =	shalt  }
.Lfunc_end2:
_tile_overlayer_lowered:
.L_overlay_start_2:
0x52: {  	(tag) =	ssettag $0x2  }
0x53: {  	s0 =	rddreg [dreg:$0x0];
	s2 =	stileid.u32  }
0x54: {  	s1 =	rddreg [dreg:$0x1];
	p0 =	sne.s32 s2, $0x0  }
0x55: {  	s3 =	rddreg [dreg:$0x2];
	[bflag:$0x3] =	sbarrier.arrive $0xFFFF;
	s2 =	simm.s32 @!p0 $0x1C02  }
0x56: {  	[timem:s3], [sflag:s2] =	dma.local @!p0 [hbm:s0], s1  }
0x57: {  	s0 =	simm.s32 @!p0 $0x2  }
0x58: {  	_ =	swait.ge @!p0 [sflag:s0], s1  }
0x59: {  	s1 =	ssub.s32 @!p0 $0x0, s1;
	[sflag:s0] =	ssyncset.done @!p0 $0x0  }
0x5a: {  	[sflag:s0] =	ssyncadd.s32 @!p0 s1  }
0x5b: {  	[bflag:$0x3] =	sbarrier.arrive $0xFFFF  }
0x5c: {  	_ =	shalt  }

// kernel: kernel.14.cloned.1.call-start
scs
__scs_entry_jumppad:
0x0: {  	(pc) =	sbr.rel $0x88, $3  }
0x1: {  	(tag) =	ssettag $0x0;
	lr =	simm.s32 $0x1  }
0x2: {  	[smem:$0x3F8E] =	sst lr;
	_ =	strace $0xD0000000  }
0x3: {  	_ = 	snop  }
0x4: {  	_ = 	snop  }
0x5: {  	_ = 	snop  }
0x6: {  	_ = 	snop  }
0x7: {  	_ = 	snop  }
__scs_overlays_trampoline_lowered:
0x8: {  	[smem:$0x3F9D] =	sst s0  }
0x9: {  	[smem:$0x3F9E] =	sst s1  }
0xa: {  	[smem:$0x3F9F] =	sst s2  }
0xb: {  	[smem:$0x3FA0] =	sst s3  }
0xc: {  	[smem:$0x3FA1] =	sst s4  }
0xd: {  	[smem:$0x3FA2] =	sst s5  }
0xe: {  	[smem:$0x3FA3] =	sst s6  }
0xf: {  	[smem:$0x3FA4] =	sst s7  }
0x10: {  	[smem:$0x3FA5] =	sst s8  }
0x11: {  	[smem:$0x3FA6] =	sst s9;
	s0 =	simm.s32 @!p0 $0x0  }
0x12: {  	s1 =	sld [smem:$0x3F8C];
	s0 =	simm.s32 @p0 $0x1  }
0x13: {  	[smem:$0x3FA7] =	sst s0;
	s0 =	simm.s32 @!p1 $0x0  }
0x14: {  	s2 =	sld [smem:$0x3F8B];
	s0 =	simm.s32 @p1 $0x1  }
0x15: {  	[smem:$0x3FA8] =	sst s0;
	s0 =	simm.s32 @!p2 $0x0  }
0x16: {  	s3 =	sld [smem:$0x3FDB];
	s0 =	simm.s32 @p2 $0x1  }
0x17: {  	s4 =	simm.s32 $0x1BF5;
	[smem:$0x3FAA] =	sst s0  }
0x18: {  	s0 =	sld [smem:$0x3F8D];
	_ =	swait.ge [sflag:s4], $0x0  }
0x19: {  	s7 =	sld [smem:$0x3F8E]  }
0x1a: {  	s8 =	sadd.s32 $0xFFFFE003, lr  }
0x1b: {  	s9 =	sadd.s32 $0xFFFFFEF7, lr;
	s5 =	simm.s32 $0xFFFFFFFF;
	p2 =	slt.u32 s8, $0xFFFFF086  }
0x1c: {  	p1 =	slt.u32 s9, $0xF7A;
	s5 =	simm.s32 @!p2 $0x0  }
0x1d: {  	s5 =	simm.s32 @p1 $0x1;
	p0 =	seq.s32 s7, s2  }
0x1e: {  	s7 =	smul.u32 @!p0 $0xF7A, s2;
	p2 =	seq.s32 @!p0 s5, $0x0  }
0x1f: {  	s9 =	smul.u32 $0xF7A, s1;
	s8 =	simm.s32 @!p0 $0x1BF5;
	p2 =	por !p2, p0  }
0x20: {  	[sflag:s8] =	ssyncset.s32 @!p0 $0xFFFFF086;
	s6 =	sadd.s32 @!p0 s3, s7;
	s7 =	simm.s32 @!p0 $0x108  }
0x21: {  	s3 =	sadd.s32 s3, s9;
	s6 =	sadd.s32 @!p0 $0x88, s6;
	s7 =	simm.s32 @p2 $0x1082  }
0x22: {  	[simem:s7], [sflag:s8] =	dma.local @!p0 [hbm:s6], $0xF7A  }
0x23: {  	s9 =	sor.u32 $0xD0000000, s2;
	s6 =	simm.s32 $0x108;
	_ =	swait.ge @!p0 [sflag:s8], $0x0  }
0x24: {  	s3 =	sadd.s32 $0x88, s3;
	s6 =	simm.s32 @!p1 $0x1082;
	[sflag:s4] =	ssyncset.s32 $0xFFFFF086  }
0x25: {  	[simem:s6], [sflag:s4] =	dma.local [hbm:s3], $0xF7A  }
0x26: {  	[smem:$0x3F8E] =	sst s1;
	(tag) =	ssettag s2;
	_ =	strace s9  }
0x27: {  	s1 =	sld [smem:$0x3F9E]  }
0x28: {  	s2 =	sld [smem:$0x3F9F]  }
0x29: {  	s4 =	sld [smem:$0x3FA1]  }
0x2a: {  	p0 =	seq.s32 s5, $0x0;
	s5 =	sld [smem:$0x3FA2]  }
0x2b: {  	s6 =	sld [smem:$0x3FA3]  }
0x2c: {  	s7 =	sld [smem:$0x3FA4]  }
0x2d: {  	s3 =	simm.s32 $0x108;
	s8 =	sld [smem:$0x3FA5]  }
0x2e: {  	s3 =	simm.s32 @!p0 $0x1082;
	s9 =	sld [smem:$0x3FA6]  }
0x2f: {  	lr =	sadd.s32 s0, s3;
	s0 =	sld [smem:$0x3F9D]  }
0x30: {  	s3 =	sld [smem:$0x3FA0]  }
0x31: {  	[smem:$0x3FA9] =	sst s10  }
0x32: {  	s10 =	sld [smem:$0x3FA7];
	_ =	sdelay $0x3  }
0x33: {  	p0 =	seq.s32 s10, $0x1;
	s10 =	sld [smem:$0x3FA9];
	_ =	sdelay $0x3  }
0x34: {  	[smem:$0x3FA9] =	sst s10  }
0x35: {  	s10 =	sld [smem:$0x3FA8];
	_ =	sdelay $0x3  }
0x36: {  	p1 =	seq.s32 s10, $0x1;
	s10 =	sld [smem:$0x3FA9];
	_ =	sdelay $0x3  }
0x37: {  	[smem:$0x3FA9] =	sst s10  }
0x38: {  	s10 =	sld [smem:$0x3FAA]  }
0x39: {  	_ = 	snop;
	(pc) =	sbr.ind lr, $3  }
0x3a: {  	_ = 	snop  }
0x3b: {  	_ = 	snop  }
0x3c: {  	p2 =	seq.s32 s10, $0x1;
	s10 =	sld [smem:$0x3FA9]  }
0x3d: {  	_ =	shalt  }
0x3e: {  	_ =	shalt  }
0x3f: {  	_ =	shalt  }
0x40: {  	_ =	shalt  }
0x41: {  	_ =	shalt  }
0x42: {  	_ =	shalt  }
0x43: {  	_ =	shalt  }
0x44: {  	_ =	shalt  }
0x45: {  	_ =	shalt  }
0x46: {  	_ =	shalt  }
0x47: {  	_ =	shalt  }
0x48: {  	_ =	shalt  }
0x49: {  	_ =	shalt  }
0x4a: {  	_ =	shalt  }
0x4b: {  	_ =	shalt  }
0x4c: {  	_ =	shalt  }
0x4d: {  	_ =	shalt  }
0x4e: {  	_ =	shalt  }
0x4f: {  	_ =	shalt  }
0x50: {  	_ =	shalt  }
0x51: {  	_ =	shalt  }
0x52: {  	_ =	shalt  }
0x53: {  	_ =	shalt  }
0x54: {  	_ =	shalt  }
0x55: {  	_ =	shalt  }
0x56: {  	_ =	shalt  }
0x57: {  	_ =	shalt  }
0x58: {  	_ =	shalt  }
0x59: {  	_ =	shalt  }
0x5a: {  	_ =	shalt  }
0x5b: {  	_ =	shalt  }
0x5c: {  	_ =	shalt  }
0x5d: {  	_ =	shalt  }
0x5e: {  	_ =	shalt  }
0x5f: {  	_ =	shalt  }
0x60: {  	_ =	shalt  }
0x61: {  	_ =	shalt  }
0x62: {  	_ =	shalt  }
0x63: {  	_ =	shalt  }
0x64: {  	_ =	shalt  }
0x65: {  	_ =	shalt  }
0x66: {  	_ =	shalt  }
0x67: {  	_ =	shalt  }
0x68: {  	_ =	shalt  }
0x69: {  	_ =	shalt  }
0x6a: {  	_ =	shalt  }
0x6b: {  	_ =	shalt  }
0x6c: {  	_ =	shalt  }
0x6d: {  	_ =	shalt  }
0x6e: {  	_ =	shalt  }
0x6f: {  	_ =	shalt  }
0x70: {  	_ =	shalt  }
0x71: {  	_ =	shalt  }
0x72: {  	_ =	shalt  }
0x73: {  	_ =	shalt  }
0x74: {  	_ =	shalt  }
0x75: {  	_ =	shalt  }
0x76: {  	_ =	shalt  }
0x77: {  	_ =	shalt  }
0x78: {  	_ =	shalt  }
0x79: {  	_ =	shalt  }
0x7a: {  	_ =	shalt  }
0x7b: {  	_ =	shalt  }
0x7c: {  	_ =	shalt  }
0x7d: {  	_ =	shalt  }
0x7e: {  	_ =	shalt  }
0x7f: {  	_ =	shalt  }
0x80: {  	_ =	shalt  }
0x81: {  	_ =	shalt  }
0x82: {  	_ =	shalt  }
0x83: {  	_ =	shalt  }
0x84: {  	_ =	shalt  }
0x85: {  	_ =	shalt  }
0x86: {  	_ =	shalt  }
0x87: {  	_ =	shalt  }
.Lfunc_end0:
.L_simem_size_0:
called_computation.1_lowered:
.L_overlay_start_0:
0x88: {  	s2 =	sld [smem:$0x3FD9]  }
0x89: {  	s3 =	sld [smem:$0x3FFE];
	_ =	sdelay $0x1  }
0x8a: {  	s1 =	srdreg.scid  }
0x8b: {  	s0 =	sand.u32 $0x1, s1  }
0x8c: {  	s17 =	sshll.u32 s0, $0xA;
	s2 =	sadd.s32 s3, s2  }
0x8d: {  	s2 =	sadd.s32 s2, s17  }
0x8e: {  	[smem:$0x3FB5] =	sst s2  }
0x8f: {  	_ = 	snop  }
0x90: {  	s2 =	sld [smem:$0x3FD0];
	(tm) =	ssettm $0x1  }
0x91: {  	s18 =	sld [smem:$0x3FFB];
	_ =	sdelay $0x3  }
0x92: {  	_ =	strace s18  }
0x93: {  	s3 =	sld [smem:$0x3FFC];
	_ =	sdelay $0x3  }
0x94: {  	_ =	strace s3  }
0x95: {  	s3 =	sld [smem:$0x3FFD];
	_ =	sdelay $0x3  }
0x96: {  	_ =	strace s3  }
0x97: {  	_ =	strace $0x8FFFFFFF  }
0x98: {  	s19 =	sld [smem:$0x3FDB];
	_ =	sdelay $0x1  }
0x99: {  	s4 =	simm.s32 $_scs_section_size  }
0x9a: {  	s5 =	simm.s32 $_size__tile_overlayer_lowered;
	s6 =	simm.s32 $_tile_overlayer_lowered  }
0x9b: {  	s22 =	simm.s32 $0x1BFF;
	s21 =	sshll.u32 s6, $0x1;
	s3 =	sadd.s32 s4, s19  }
0x9c: {  	s7 =	simm.s32 $0x0;
	s20 =	sshll.u32 s5, $0x1;
	s5 =	sadd.s32 s21, s3  }
0x9d: {  	[timem:s7], [sflag:s22] =	dma.local [hbm:s5], s20  }
0x9e: {  	_ =	swait.ge [sflag:s22], s20  }
0x9f: {  	s4 =	ssub.s32 $0x0, s20;
	[sflag:s22] =	ssyncset.done $0x0  }
0xa0: {  	[sflag:s22] =	ssyncadd.s32 s4;
	_ =	sdelay $0x1  }
0xa1: {  	s23 =	simm.s32 $0x1B8B  }
0xa2: {  	_ =	swait.ge [sflag:s23], $0x1  }
0xa3: {  	[sflag:s23] =	ssyncset.done $0x0  }
0xa4: {  	s25 =	simm.s32 $0x1B8E;
	s24 =	sld [smem:$0x3FFE];
	[sflag:s23] =	ssyncadd.s32 $0xFFFFFFFF  }
0xa5: {  	s26 =	simm.s32 $execute0_lowered;
	[smem:$0x3FD2] =	sst s25  }
0xa6: {  	s5 =	sshll.u32 s26, $0x1;
	_ =	strace $0x80000049;
	[dreg:$0x1] =	wrdreg $0xFFFFFFFF  }
0xa7: {  	s28 =	simm.s32 $_size_execute0_lowered;
	s3 =	sadd.s32 s3, s5;
	[dreg:$0x0] =	wrdreg $0x0  }
0xa8: {  	s5 =	sshll.u32 s28, $0x1;
	[dreg:$0x2] =	wrdreg s3  }
0xa9: {  	[dreg:$0x3] =	wrdreg s5  }
0xaa: {  	[dreg:$0x4] =	wrdreg $0xC0  }
0xab: {  	_ =	task [dreg:s7], $0x5FFFF  }
0xac: {  	[dreg:$0x1] =	wrdreg $0xFFFFFFFF  }
0xad: {  	[dreg:$0x0] =	wrdreg $0x60  }
0xae: {  	[dreg:$0x2] =	wrdreg s24  }
0xaf: {  	[dreg:$0x3] =	wrdreg s2  }
0xb0: {  	[dreg:$0x4] =	wrdreg $0x41000  }
0xb1: {  	[dreg:$0x5] =	wrdreg $0x9  }
0xb2: {  	_ =	task.clear_ibuf [dreg:s7], $0x6FFFF;
	_ =	strace $0x90000049  }
0xb3: {  	s29 =	simm.s32 $0x9;
	_ =	strace $0x8000004B  }
0xb4: {  	_ =	swait.ge [sflag:s29], $0x1  }
0xb5: {  	[sflag:s29] =	ssyncadd.s32 $0xFFFFFFFF  }
0xb6: {  	_ =	strace $0x9000004B  }
0xb7: {  	_ =	sfence  }
0xb8: {  	s30 =	sld [smem:$0x0];
	_ =	sdelay $0x2  }
0xb9: {  	s31 =	sshll.u32 s1, $0xD;
	s1 =	sshrl.u32 s1, $0x2  }
0xba: {  	s3 =	sand.u32 $0x4000, s31;
	s1 =	sadd.s32 s1, s30  }
0xbb: {  	s0 =	sor.u32 s3, s0;
	s1 =	sshll.u32 s1, $0x11  }
0xbc: {  	s0 =	sor.u32 s1, s0  }
0xbd: {  	s0 =	sadd.s32 $0x8F2B, s0  }
0xbe: {  	[sflag:s0] =	ssyncadd.remote.s32 $0x1  }
0xbf: {  	_ =	sfence.sel $0xFFFF  }
0xc0: {  	[dreg:$0x0] =	wrdreg $0xFFFFFFFF;
	(pc) =	sbr.abs _section_cstart, $3  }
0xc1: {  	[dreg:$0x1] =	wrdreg $0xFFFFFFFF  }
0xc2: {  	_ =	task.clear_ibuf [dreg:s7], $0x2FFFF;
	_ =	strace $0x9FFFFFFF  }
0xc3: {  	(tm) =	ssettm $0x7FFFFFFF  }
tec
execute0_lowered:
.L_overlay_start_1:
0x0: {  	(tag) =	ssettag $0x1  }
0x1: {  	s5 =	rddreg [dreg:$0x0]  }
0x2: {  	s8 =	rddreg [dreg:$0x1]  }
0x3: {  	s2 =	rddreg [dreg:$0x2]  }
0x4: {  	s0 =	rddreg [dreg:$0x3]  }
0x5: {  	s1 =	stileid.u32;
	s4 =	srdreg.scid  }
0x6: {  	s3 =	simm.s32 $0x0;
	s16 =	simm.s32 $0x0;
	s9 =	smul.u32 $0x9E0, s1  }
0x7: {  	s6 =	smul.u32 $0x13C00, s1;
	s7 =	sand.u32 $0x1, s4;
	[smem:$0x7FF] =	sst s3  }
0x8: {  	s4 =	sadd.s32 $0x2C00, s5;
	s14 =	smul.u32 $0x4F000, s1;
	s29 =	sshll.u32 s1, $0x6  }
0x9: {  	s10 =	smul.u32 $0x13C000, s7;
	_ =	strace $0x8000004A;
	s26 =	ssub.s32 $0x2, s7  }
0xa: {  	s30 =	smul.u32 $0x4F0, s7;
	s11 =	sadd.s32 s9, s5;
	s12 =	sshrl.u32 s6, $0x3  }
0xb: {  	s13 =	sshrl.u32 s26, $0x1;
	s28 =	sshrl.u32 s14, $0x2;
	s31 =	sadd.s32 s9, s8  }
0xc: {  	s6 =	sadd.s32 s6, s10;
	s12 =	sadd.s32 s12, s5;
	s10 =	ssub.s32 s26, s13  }
0xd: {  	s14 =	sadd.s32 s28, s2;
	s11 =	sadd.s32 s30, s11;
	s13 =	simm.s32 $0x80  }
0xe: {  	s6 =	sshrl.u32 s6, $0x3;
	s8 =	smax.u32 s10, $0x1;
	s9 =	sadd.s32 $0x162600, s11  }
0xf: {  	s10 =	sadd.s32 s30, s31;
	s11 =	sshrl.u32 s14, $0x3;
	s14 =	simm.s32 $0x100  }
0x10: {  	s15 =	sadd.s32 s6, s5;
	s5 =	sadd.s32 $0x16C400, s12;
	s6 =	sor.u32 $0x1C02, s29  }
0x11: {  	s12 =	simm.s32 $0x2;
	s7 =	sadd.s32 $0x193C00, s15;
	s15 =	simm.s32 $0x1  }
.LBB2_1:
0x12: {  	[spmem:s11], [sflag:s6] =	dma.local [hbm:s5], $0x2780  }
0x13: {  	_ =	swait.ge [sflag:s12], $0x2780  }
0x14: {  	[sflag:s12] =	ssyncset.done $0x0  }
0x15: {  	[sflag:s12] =	ssyncadd.s32 $0xFFFFD880  }
0x16: {  	s17 =	sadd.s32 $0x0, s10;
	[bflag:$0x0] =	sbarrier.arrive $0xFFFF  }
0x17: {  	[tilespmem:s3], [sflag:$0x2] =	stream.linear.gather [hbm4b:s17+s3], $0x80, $0x38;
	[tilespmem:$0x17D00] =	vst v63  }
0x18: {  	_ =	swait.ge [sflag:s12], $0x80  }
0x19: {  	[sflag:s12] =	ssyncset.done $0x0  }
0x1a: {  	s31 =	sadd.s32 $0x0, s9;
	[sflag:s12] =	ssyncadd.s32 $0xFFFFFF80  }
0x1b: {  	[tilespmem:s13], [sflag:$0x2] =	stream.linear.gather [hbm4b:s31+s3], $0x80, $0x38;
	[tilespmem:$0x17D00] =	vst v63  }
0x1c: {  	_ =	swait.ge [sflag:s12], $0x80  }
0x1d: {  	[sflag:s12] =	ssyncset.done $0x0  }
0x1e: {  	[sflag:s12] =	ssyncadd.s32 $0xFFFFFF80  }
0x1f: {  	[tilespmem:s14], [sflag:$0x1] =	stream.indirect.gather [hbm4b:s4+s13], $0x80, s3, s13, $0xb8;
	[tilespmem:$0x17D00] =	vst v63  }
0x20: {  	_ =	swait.ge [sflag:s15], $0x4000  }
0x21: {  	[sflag:s15] =	ssyncset.done $0x0  }
0x22: {  	[sflag:s15] =	ssyncadd.s32 $0xFFFFC000  }
0x23: {  	[spmem:s2] =	stream.indirect.scatter.add.f32 [tilespmem:s14], [sflag:$0x2], $0x80, s13, s13, $0xb8;
	[tilespmem:$0x17D00] =	vst v63  }
0x24: {  	_ =	swait.ge [sflag:s12], $0x4000  }
0x25: {  	s18 =	simm.s32 $0x20;
	s17 =	simm.s32 $0x10;
	[sflag:s12] =	ssyncset.done $0x0  }
.LBB2_2:
0x26: {  	s19 =	sadd.s32 s17, s10  }
0x27: {  	[sflag:s12] =	ssyncadd.s32 $0xFFFFC000;
	s20 =	smov.u32 s18;
	s21 =	sadd.s32 $0x10, s18  }
0x28: {  	[tilespmem:s3], [sflag:$0x2] =	stream.linear.gather [hbm4b:s19+s3], $0x80, $0x38;
	[tilespmem:$0x17D00] =	vst v63  }
0x29: {  	p0 =	sne.s32 s18, $0x4E0;
	_ =	swait.ge [sflag:s12], $0x80  }
0x2a: {  	[sflag:s12] =	ssyncset.done $0x0  }
0x2b: {  	s18 =	sadd.s32 s17, s9;
	s17 =	smov.u32 s20;
	[sflag:s12] =	ssyncadd.s32 $0xFFFFFF80  }
0x2c: {  	[tilespmem:s13], [sflag:$0x2] =	stream.linear.gather [hbm4b:s18+s3], $0x80, $0x38;
	[tilespmem:$0x17D00] =	vst v63  }
0x2d: {  	_ =	swait.ge [sflag:s12], $0x80  }
0x2e: {  	[sflag:s12] =	ssyncset.done $0x0  }
0x2f: {  	[sflag:s12] =	ssyncadd.s32 $0xFFFFFF80  }
0x30: {  	[tilespmem:s14], [sflag:$0x1] =	stream.indirect.gather [hbm4b:s4+s13], $0x80, s3, s13, $0xb8;
	[tilespmem:$0x17D00] =	vst v63  }
0x31: {  	_ =	swait.ge [sflag:s15], $0x4000  }
.Ltmp0:
0x32: {  	[sflag:s15] =	ssyncset.done $0x0;
	(pc) =	sbr.rel @p0 .LBB2_2-.Ltmp0, $4  }
0x33: {  	[sflag:s15] =	ssyncadd.s32 $0xFFFFC000  }
0x34: {  	[spmem:s2] =	stream.indirect.scatter.add.f32 [tilespmem:s14], [sflag:$0x2], $0x80, s13, s13, $0xb8;
	[tilespmem:$0x17D00] =	vst v63  }
0x35: {  	_ =	swait.ge [sflag:s12], $0x4000  }
0x36: {  	s18 =	smov.u32 s21;
	[sflag:s12] =	ssyncset.done $0x0  }
0x37: {  	s18 =	sadd.s32 s17, s10;
	[sflag:s12] =	ssyncadd.s32 $0xFFFFC000  }
0x38: {  	[tilespmem:s3], [sflag:$0x2] =	stream.linear.gather [hbm4b:s18+s3], $0x80, $0x38;
	[tilespmem:$0x17D00] =	vst v63  }
0x39: {  	_ =	swait.ge [sflag:s12], $0x80  }
0x3a: {  	[sflag:s12] =	ssyncset.done $0x0  }
0x3b: {  	s31 =	sadd.s32 s17, s9;
	[sflag:s12] =	ssyncadd.s32 $0xFFFFFF80  }
0x3c: {  	[tilespmem:s13], [sflag:$0x2] =	stream.linear.gather [hbm4b:s31+s3], $0x80, $0x38;
	[tilespmem:$0x17D00] =	vst v63  }
0x3d: {  	_ =	swait.ge [sflag:s12], $0x80  }
0x3e: {  	[sflag:s12] =	ssyncset.done $0x0  }
0x3f: {  	[sflag:s12] =	ssyncadd.s32 $0xFFFFFF80  }
0x40: {  	[tilespmem:s14], [sflag:$0x1] =	stream.indirect.gather [hbm4b:s4+s13], $0x80, s3, s13, $0xb8;
	[tilespmem:$0x17D00] =	vst v63  }
0x41: {  	_ =	swait.ge [sflag:s15], $0x4000  }
0x42: {  	[sflag:s15] =	ssyncset.done $0x0  }
0x43: {  	[sflag:s15] =	ssyncadd.s32 $0xFFFFC000  }
0x44: {  	[spmem:s2] =	stream.indirect.scatter.add.f32 [tilespmem:s14], [sflag:$0x2], $0x80, s13, s13, $0xb8;
	[tilespmem:$0x17D00] =	vst v63  }
0x45: {  	_ =	swait.ge [sflag:s12], $0x4000  }
0x46: {  	s16 =	sadd.s32 $0x1, s16;
	[sflag:s12] =	ssyncset.done $0x0  }
0x47: {  	p0 =	sne.s32 s16, s8;
	[sflag:s12] =	ssyncadd.s32 $0xFFFFC000  }
.Ltmp1:
0x48: {  	[bflag:$0x0] =	sbarrier.arrive $0xFFFF;
	(pc) =	sbr.rel @p0 .LBB2_1-.Ltmp1, $4  }
0x49: {  	[hbm:s7], [sflag:s6] =	dma.local [spmem:s11], $0x2780  }
0x4a: {  	_ =	swait.ge [sflag:s12], $0x2780  }
0x4b: {  	[sflag:s12] =	ssyncset.done $0x0  }
0x4c: {  	[sflag:s12] =	ssyncadd.s32 $0xFFFFD880  }
0x4d: {  	_ =	sfence.sel $0x180000  }
0x4e: {  	[bflag:$0x0] =	sbarrier.arrive $0xFFFF  }
0x4f: {  	p0 =	sne.s32 s1, $0x0;
	_ =	strace $0x9000004A  }
0x50: {  	s0 =	sadd.s32 @!p0 $0x100000, s0;
	[bflag:$0x2] =	sbarrier.arrive $0xFFFF  }
0x51: {  	[sflag:s0] =	ssyncadd.tile.s32 @!p0 $0x1;
	_ =	shalt  }
.Lfunc_end2:
_tile_overlayer_lowered:
.L_overlay_start_2:
0x52: {  	(tag) =	ssettag $0x2  }
0x53: {  	s0 =	rddreg [dreg:$0x0];
	s2 =	stileid.u32  }
0x54: {  	s1 =	rddreg [dreg:$0x1];
	p0 =	sne.s32 s2, $0x0  }
0x55: {  	s3 =	rddreg [dreg:$0x2];
	[bflag:$0x3] =	sbarrier.arrive $0xFFFF;
	s2 =	simm.s32 @!p0 $0x1C02  }
0x56: {  	[timem:s3], [sflag:s2] =	dma.local @!p0 [hbm:s0], s1  }
0x57: {  	s0 =	simm.s32 @!p0 $0x2  }
0x58: {  	_ =	swait.ge @!p0 [sflag:s0], s1  }
0x59: {  	s1 =	ssub.s32 @!p0 $0x0, s1;
	[sflag:s0] =	ssyncset.done @!p0 $0x0  }
0x5a: {  	[sflag:s0] =	ssyncadd.s32 @!p0 s1  }
0x5b: {  	[bflag:$0x3] =	sbarrier.arrive $0xFFFF  }
0x5c: {  	_ =	shalt  }

</sc_bundles>
